<compile_context>
chip_gen: v7x
topology: tpu7x:2x2x1
jax: 0.10.2.dev20260603
libtpu: 0.0.44.dev20260713+nightly
codegen_flags: <defaults>
</compile_context>

<pallas_src>
import functools

import jax
import jax.numpy as jnp
from jax import lax
from jax.experimental import pallas as pl
from jax.experimental.pallas import tpu as pltpu
from jax.experimental.pallas import tpu_sc as plsc

_N = 16384
_M = 1000
_L = 16
_SEG = 5
_RPS = 200


def _sc_body(predT_hbm, tgt_hbm, idx_hbm, out_hbm, idx16_v, lab_v, buf_sh,
             col_v, out_v, sem):
    cid = lax.axis_index("c")
    sid = lax.axis_index("s")

    @pl.when((cid == 0) & (sid == 0))
    def _work():
        pltpu.sync_copy(idx_hbm, idx16_v)
        pltpu.async_copy(tgt_hbm.at[idx16_v], lab_v, sem).wait()
        ridx = idx16_v[...][0]
        cbase = pl.multiple_of((ridx // 128) * 128, 128)
        cl = ridx % 128

        copies = [
            pltpu.async_copy(
                predT_hbm.at[pl.ds(s * _RPS, _RPS), pl.ds(cbase, 128)],
                buf_sh.at[pl.ds(s * _RPS, _RPS)], sem)
            for s in range(_SEG)
        ]
        for c in copies:
            c.wait()
        pltpu.sync_copy(buf_sh.at[:, cl], col_v)

        labv = lab_v[...]
        lane = lax.iota(jnp.int32, _L)
        acc = jnp.zeros((_L,), jnp.float32)
        sel = jnp.zeros((_L,), jnp.float32)
        for j in range(_M // _L):
            chunk = col_v[pl.ds(j * _L, _L)]
            pos = lane + (j * _L)
            acc = acc + chunk
            sel = sel + jnp.where(pos == labv, chunk, 0.0)
        chunk = col_v[pl.ds(_M - _L, _L)]
        pos = lane + (_M - _L)
        new = lane >= 8
        acc = acc + jnp.where(new, chunk, 0.0)
        sel = sel + jnp.where(new & (pos == labv), chunk, 0.0)

        total = acc[0]
        elem = sel[0]
        for i in range(1, _L):
            total = total + acc[i]
            elem = elem + sel[i]
        loss = _M * elem - total
        out_v[...] = jnp.full((_L,), loss, jnp.float32)
        pltpu.sync_copy(out_v, out_hbm)


_MESH = plsc.VectorSubcoreMesh(core_axis_name="c", subcore_axis_name="s")

_sc_call = functools.partial(
    pl.kernel,
    mesh=_MESH,
    out_type=jax.ShapeDtypeStruct((_L,), jnp.float32),
    scratch_types=[
        pltpu.VMEM((_L,), jnp.int32),
        pltpu.VMEM((_L,), jnp.int32),
        pltpu.VMEM_SHARED((_M, 128), jnp.float32),
        pltpu.VMEM((_M,), jnp.float32),
        pltpu.VMEM((_L,), jnp.float32),
        pltpu.SemaphoreType.DMA,
    ],
)(_sc_body)


def kernel(pred, target, rand_idx):
    idx16 = jnp.full((_L,), jnp.asarray(rand_idx, jnp.int32))
    tgt = jnp.asarray(target, jnp.int32)
    out = _sc_call(pred.T, tgt, idx16)
    return out[0]

# --- scband reference (transcript-rebuilt; emitter-appended) ---
"""Pipeline reference for scband-omega-loss-51565377356048 (READ-ONLY COPY).

The authoritative reference and input builder live on the scoring server;
editing this copy changes nothing except your own understanding.
"""

import jax, jax.numpy as jnp
import numpy as np

N = 16384
M = 1000

def setup_inputs(seed: int = 0) -> dict:
    key = jax.random.key(seed)
    k1, k2 = jax.random.split(key)
    pred = jax.random.normal(k1, (N, M), dtype=jnp.float32)
    target = jax.random.randint(k2, (N,), 0, M, dtype=jnp.int64)
    rand_idx = 12345
    return {"pred": pred, "target": target, "rand_idx": rand_idx}

def reference(pred, target, rand_idx):
    # logit = pred[rand_idx]  -> row gather, shape [M]
    logit = jnp.take(pred, rand_idx, axis=0)
    # label_idx = target[rand_idx] -> scalar label
    label_idx = jnp.take(target, rand_idx, axis=0)
    m = logit.shape[0]
    # Original loop: loss starts at 0 (logit[label]-logit[label]), then adds
    # (logit[label] - logit[j]) for j in range(M).
    # Equivalent vectorized form: M * logit[label] - sum_j logit[j]
    loss = m * jnp.take(logit, label_idx, axis=0) - jnp.sum(logit)
    return loss

if __name__ == "__main__":
    import jax
    _d = setup_inputs()
    print(jax.jit(kernel)(*tuple(_d.values())))

</pallas_src>

<mosaic_0001>
#map = affine_map<(d0, d1) -> (0, 0)>
#map1 = affine_map<(d0, d1) -> (0)>
module attributes {stable_mosaic.version = 14 : i64} {
  func.func @_sc_body(%arg0: i32, %arg1: i32, %arg2: memref<1000x16384xf32, #tpu.memory_space<hbm>>, %arg3: memref<16384xi32, #tpu.memory_space<hbm>>, %arg4: memref<16xi32, #tpu.memory_space<hbm>>, %arg5: memref<16xf32, #tpu.memory_space<hbm>>, %arg6: memref<16xi32, #tpu.memory_space<vmem>>, %arg7: memref<16xi32, #tpu.memory_space<vmem>>, %arg8: memref<1000x128xf32, #tpu.memory_space<vmem_shared>>, %arg9: memref<1000xf32, #tpu.memory_space<vmem>>, %arg10: memref<16xf32, #tpu.memory_space<vmem>>, %arg11: memref<!tpu.dma_semaphore, #tpu.memory_space<semaphore_mem>>) attributes {dimension_semantics = [#tpu.dimension_semantics<core_parallel>, #tpu.dimension_semantics<subcore_parallel>], iteration_bounds = array<i64: 2, 16>, scalar_prefetch = 0 : i64, scratch_operands = 6 : i64, tpu.core_type = #tpu.core_type<sc_vector_subcore>, window_params = [{transform_indices = #map}, {transform_indices = #map1}, {transform_indices = #map1}, {transform_indices = #map1}]} {
    %eq3A = arith.constant 0 : i32
    %eq3A_0 = arith.cmpi eq, %arg0, %eq3A : i32
    %eq3A_1 = arith.constant 0 : i32
    %eq3A_2 = arith.cmpi eq, %arg1, %eq3A_1 : i32
    %and3A = arith.andi %eq3A_0, %eq3A_2 : i1
    %convert_element_type3A = arith.extui %and3A : i1 to i32
    %cond3A = arith.constant 0 : i32
    %cond3A_3 = arith.cmpi ne, %convert_element_type3A, %cond3A : i32
    scf.if %cond3A_3 {
      "tpu.region"() ({
        %run_scoped3A = tpu.sem_alloc : memref<!tpu.dma_semaphore, #tpu.memory_space<semaphore_mem>>
        tpu.enqueue_dma source(%arg4 : memref<16xi32, #tpu.memory_space<hbm>>) target(%arg6 : memref<16xi32, #tpu.memory_space<vmem>>) target_semaphore(%run_scoped3A : memref<!tpu.dma_semaphore, #tpu.memory_space<semaphore_mem>>)
        tpu.wait_dma2 semaphore(%run_scoped3A : memref<!tpu.dma_semaphore, #tpu.memory_space<semaphore_mem>>) src(%arg4 : memref<16xi32, #tpu.memory_space<hbm>>) dst(%arg6 : memref<16xi32, #tpu.memory_space<vmem>>)
        tpu.yield
      }) : () -> ()
      %dma_start3A = arith.constant 0 : i32
      %dma_start3A_4 = tpu.memref_slice %arg3[%dma_start3A] : memref<16384xi32, #tpu.memory_space<hbm>> -> memref<16384xi32, #tpu.memory_space<hbm>>
      tpu.enqueue_indirect_dma source(%dma_start3A_4 : memref<16384xi32, #tpu.memory_space<hbm>>) target(%arg7 : memref<16xi32, #tpu.memory_space<vmem>>) offsets(%arg6 : memref<16xi32, #tpu.memory_space<vmem>>) semaphore(%arg11 : memref<!tpu.dma_semaphore, #tpu.memory_space<semaphore_mem>>)
      %dma_wait3A = arith.constant 0 : i32
      %dma_wait3A_5 = tpu.memref_slice %arg3[%dma_wait3A] : memref<16384xi32, #tpu.memory_space<hbm>> -> memref<16384xi32, #tpu.memory_space<hbm>>
      tpu.wait_indirect_dma semaphore(%arg11 : memref<!tpu.dma_semaphore, #tpu.memory_space<semaphore_mem>>) src(%dma_wait3A_5 : memref<16384xi32, #tpu.memory_space<hbm>>) dst(%arg7 : memref<16xi32, #tpu.memory_space<vmem>>)
      %get3A = arith.constant 0 : index
      %get3A_6 = tpu.vector_load %arg6[%get3A] {strides = array<i32>} : memref<16xi32, #tpu.memory_space<vmem>>, vector<16xi32>,
      %get3A_7 = vector.shape_cast %get3A_6 : vector<16xi32> to vector<16xi32>
      %slice3A = vector.extract_strided_slice %get3A_7 {offsets = [0], sizes = [1], strides = [1]} : vector<16xi32> to vector<1xi32>
      %squeeze3A = vector.extract %slice3A[0] : i32 from vector<1xi32>
      %jit3A = arith.constant 128 : i32
      %div3A = arith.divsi %squeeze3A, %jit3A : i32
      %sign3A = arith.constant 0 : i32
      %sign3A_8 = arith.cmpi sgt, %squeeze3A, %sign3A : i32
      %sign3A_9 = arith.extui %sign3A_8 : i1 to i32
      %sign3A_10 = arith.constant 0 : i32
      %sign3A_11 = arith.cmpi slt, %squeeze3A, %sign3A_10 : i32
      %sign3A_12 = arith.extui %sign3A_11 : i1 to i32
      %sign3A_13 = arith.subi %sign3A_9, %sign3A_12 : i32
      %sign3A_14 = arith.constant 0 : i32
      %sign3A_15 = arith.cmpi sgt, %jit3A, %sign3A_14 : i32
      %sign3A_16 = arith.extui %sign3A_15 : i1 to i32
      %sign3A_17 = arith.constant 0 : i32
      %sign3A_18 = arith.cmpi slt, %jit3A, %sign3A_17 : i32
      %sign3A_19 = arith.extui %sign3A_18 : i1 to i32
      %sign3A_20 = arith.subi %sign3A_16, %sign3A_19 : i32
      %ne3A = arith.cmpi ne, %sign3A_13, %sign3A_20 : i32
      %rem3A = arith.remsi %squeeze3A, %jit3A : i32
      %ne3A_21 = arith.constant 0 : i32
      %ne3A_22 = arith.cmpi ne, %rem3A, %ne3A_21 : i32
      %and3A_23 = arith.andi %ne3A, %ne3A_22 : i1
      %sub3A = arith.constant 1 : i32
      %sub3A_24 = arith.subi %div3A, %sub3A : i32
      %select_n3A = arith.select %and3A_23, %sub3A_24, %div3A : i32
      %mul3A = arith.constant 128 : i32
      %mul3A_25 = arith.muli %select_n3A, %mul3A : i32
      %multiple_of3A = tpu.assume_multiple %mul3A_25, 128 : i32
      %jit3A_26 = arith.constant 128 : i32
      %eq3A_27 = arith.constant 0 : i32
      %eq3A_28 = arith.cmpi eq, %jit3A_26, %eq3A_27 : i32
      %jit3A_29 = arith.constant 1 : i32
      %select_n3A_30 = arith.select %eq3A_28, %jit3A_29, %jit3A_26 : i32
      %rem3A_31 = arith.remsi %squeeze3A, %select_n3A_30 : i32
      %ne3A_32 = arith.constant 0 : i32
      %ne3A_33 = arith.cmpi ne, %rem3A_31, %ne3A_32 : i32
      %lt3A = arith.constant 0 : i32
      %lt3A_34 = arith.cmpi slt, %rem3A_31, %lt3A : i32
      %lt3A_35 = arith.constant 0 : i32
      %lt3A_36 = arith.cmpi slt, %select_n3A_30, %lt3A_35 : i32
      %ne3A_37 = arith.xori %lt3A_34, %lt3A_36 : i1
      %and3A_38 = arith.andi %ne3A_37, %ne3A_33 : i1
      %add3A = arith.addi %rem3A_31, %select_n3A_30 : i32
      %select_n3A_39 = arith.select %and3A_38, %add3A, %rem3A_31 : i32
      %dma_start3A_40 = arith.constant 0 : i32
      %dma_start3A_41 = arith.constant 0 : i32
      %dma_start3A_42 = tpu.memref_slice %arg8[%dma_start3A_40, %dma_start3A_41] : memref<1000x128xf32, #tpu.memory_space<vmem_shared>> -> memref<200x128xf32, #tpu.memory_space<vmem_shared>>
      %dma_start3A_43 = arith.constant 0 : i32
      %dma_start3A_44 = tpu.memref_slice %arg2[%dma_start3A_43, %multiple_of3A] : memref<1000x16384xf32, #tpu.memory_space<hbm>> -> memref<200x128xf32, #tpu.memory_space<hbm>>
      tpu.enqueue_dma source(%dma_start3A_44 : memref<200x128xf32, #tpu.memory_space<hbm>>) target(%dma_start3A_42 : memref<200x128xf32, #tpu.memory_space<vmem_shared>>) target_semaphore(%arg11 : memref<!tpu.dma_semaphore, #tpu.memory_space<semaphore_mem>>)
      %dma_start3A_45 = arith.constant 200 : i32
      %dma_start3A_46 = arith.constant 0 : i32
      %dma_start3A_47 = tpu.memref_slice %arg8[%dma_start3A_45, %dma_start3A_46] : memref<1000x128xf32, #tpu.memory_space<vmem_shared>> -> memref<200x128xf32, #tpu.memory_space<vmem_shared>>
      %dma_start3A_48 = arith.constant 200 : i32
      %dma_start3A_49 = tpu.memref_slice %arg2[%dma_start3A_48, %multiple_of3A] : memref<1000x16384xf32, #tpu.memory_space<hbm>> -> memref<200x128xf32, #tpu.memory_space<hbm>>
      tpu.enqueue_dma source(%dma_start3A_49 : memref<200x128xf32, #tpu.memory_space<hbm>>) target(%dma_start3A_47 : memref<200x128xf32, #tpu.memory_space<vmem_shared>>) target_semaphore(%arg11 : memref<!tpu.dma_semaphore, #tpu.memory_space<semaphore_mem>>)
      %dma_start3A_50 = arith.constant 400 : i32
      %dma_start3A_51 = arith.constant 0 : i32
      %dma_start3A_52 = tpu.memref_slice %arg8[%dma_start3A_50, %dma_start3A_51] : memref<1000x128xf32, #tpu.memory_space<vmem_shared>> -> memref<200x128xf32, #tpu.memory_space<vmem_shared>>
      %dma_start3A_53 = arith.constant 400 : i32
      %dma_start3A_54 = tpu.memref_slice %arg2[%dma_start3A_53, %multiple_of3A] : memref<1000x16384xf32, #tpu.memory_space<hbm>> -> memref<200x128xf32, #tpu.memory_space<hbm>>
      tpu.enqueue_dma source(%dma_start3A_54 : memref<200x128xf32, #tpu.memory_space<hbm>>) target(%dma_start3A_52 : memref<200x128xf32, #tpu.memory_space<vmem_shared>>) target_semaphore(%arg11 : memref<!tpu.dma_semaphore, #tpu.memory_space<semaphore_mem>>)
      %dma_start3A_55 = arith.constant 600 : i32
      %dma_start3A_56 = arith.constant 0 : i32
      %dma_start3A_57 = tpu.memref_slice %arg8[%dma_start3A_55, %dma_start3A_56] : memref<1000x128xf32, #tpu.memory_space<vmem_shared>> -> memref<200x128xf32, #tpu.memory_space<vmem_shared>>
      %dma_start3A_58 = arith.constant 600 : i32
      %dma_start3A_59 = tpu.memref_slice %arg2[%dma_start3A_58, %multiple_of3A] : memref<1000x16384xf32, #tpu.memory_space<hbm>> -> memref<200x128xf32, #tpu.memory_space<hbm>>
      tpu.enqueue_dma source(%dma_start3A_59 : memref<200x128xf32, #tpu.memory_space<hbm>>) target(%dma_start3A_57 : memref<200x128xf32, #tpu.memory_space<vmem_shared>>) target_semaphore(%arg11 : memref<!tpu.dma_semaphore, #tpu.memory_space<semaphore_mem>>)
      %dma_start3A_60 = arith.constant 800 : i32
      %dma_start3A_61 = arith.constant 0 : i32
      %dma_start3A_62 = tpu.memref_slice %arg8[%dma_start3A_60, %dma_start3A_61] : memref<1000x128xf32, #tpu.memory_space<vmem_shared>> -> memref<200x128xf32, #tpu.memory_space<vmem_shared>>
      %dma_start3A_63 = arith.constant 800 : i32
      %dma_start3A_64 = tpu.memref_slice %arg2[%dma_start3A_63, %multiple_of3A] : memref<1000x16384xf32, #tpu.memory_space<hbm>> -> memref<200x128xf32, #tpu.memory_space<hbm>>
      tpu.enqueue_dma source(%dma_start3A_64 : memref<200x128xf32, #tpu.memory_space<hbm>>) target(%dma_start3A_62 : memref<200x128xf32, #tpu.memory_space<vmem_shared>>) target_semaphore(%arg11 : memref<!tpu.dma_semaphore, #tpu.memory_space<semaphore_mem>>)
      %dma_wait3A_65 = arith.constant 0 : i32
      %dma_wait3A_66 = arith.constant 0 : i32
      %dma_wait3A_67 = tpu.memref_slice %arg8[%dma_wait3A_65, %dma_wait3A_66] : memref<1000x128xf32, #tpu.memory_space<vmem_shared>> -> memref<200x128xf32, #tpu.memory_space<vmem_shared>>
      %dma_wait3A_68 = arith.constant 0 : i32
      %dma_wait3A_69 = tpu.memref_slice %arg2[%dma_wait3A_68, %multiple_of3A] : memref<1000x16384xf32, #tpu.memory_space<hbm>> -> memref<200x128xf32, #tpu.memory_space<hbm>>
      tpu.wait_dma2 semaphore(%arg11 : memref<!tpu.dma_semaphore, #tpu.memory_space<semaphore_mem>>) src(%dma_wait3A_69 : memref<200x128xf32, #tpu.memory_space<hbm>>) dst(%dma_wait3A_67 : memref<200x128xf32, #tpu.memory_space<vmem_shared>>)
      %dma_wait3A_70 = arith.constant 200 : i32
      %dma_wait3A_71 = arith.constant 0 : i32
      %dma_wait3A_72 = tpu.memref_slice %arg8[%dma_wait3A_70, %dma_wait3A_71] : memref<1000x128xf32, #tpu.memory_space<vmem_shared>> -> memref<200x128xf32, #tpu.memory_space<vmem_shared>>
      %dma_wait3A_73 = arith.constant 200 : i32
      %dma_wait3A_74 = tpu.memref_slice %arg2[%dma_wait3A_73, %multiple_of3A] : memref<1000x16384xf32, #tpu.memory_space<hbm>> -> memref<200x128xf32, #tpu.memory_space<hbm>>
      tpu.wait_dma2 semaphore(%arg11 : memref<!tpu.dma_semaphore, #tpu.memory_space<semaphore_mem>>) src(%dma_wait3A_74 : memref<200x128xf32, #tpu.memory_space<hbm>>) dst(%dma_wait3A_72 : memref<200x128xf32, #tpu.memory_space<vmem_shared>>)
      %dma_wait3A_75 = arith.constant 400 : i32
      %dma_wait3A_76 = arith.constant 0 : i32
      %dma_wait3A_77 = tpu.memref_slice %arg8[%dma_wait3A_75, %dma_wait3A_76] : memref<1000x128xf32, #tpu.memory_space<vmem_shared>> -> memref<200x128xf32, #tpu.memory_space<vmem_shared>>
      %dma_wait3A_78 = arith.constant 400 : i32
      %dma_wait3A_79 = tpu.memref_slice %arg2[%dma_wait3A_78, %multiple_of3A] : memref<1000x16384xf32, #tpu.memory_space<hbm>> -> memref<200x128xf32, #tpu.memory_space<hbm>>
      tpu.wait_dma2 semaphore(%arg11 : memref<!tpu.dma_semaphore, #tpu.memory_space<semaphore_mem>>) src(%dma_wait3A_79 : memref<200x128xf32, #tpu.memory_space<hbm>>) dst(%dma_wait3A_77 : memref<200x128xf32, #tpu.memory_space<vmem_shared>>)
      %dma_wait3A_80 = arith.constant 600 : i32
      %dma_wait3A_81 = arith.constant 0 : i32
      %dma_wait3A_82 = tpu.memref_slice %arg8[%dma_wait3A_80, %dma_wait3A_81] : memref<1000x128xf32, #tpu.memory_space<vmem_shared>> -> memref<200x128xf32, #tpu.memory_space<vmem_shared>>
      %dma_wait3A_83 = arith.constant 600 : i32
      %dma_wait3A_84 = tpu.memref_slice %arg2[%dma_wait3A_83, %multiple_of3A] : memref<1000x16384xf32, #tpu.memory_space<hbm>> -> memref<200x128xf32, #tpu.memory_space<hbm>>
      tpu.wait_dma2 semaphore(%arg11 : memref<!tpu.dma_semaphore, #tpu.memory_space<semaphore_mem>>) src(%dma_wait3A_84 : memref<200x128xf32, #tpu.memory_space<hbm>>) dst(%dma_wait3A_82 : memref<200x128xf32, #tpu.memory_space<vmem_shared>>)
      %dma_wait3A_85 = arith.constant 800 : i32
      %dma_wait3A_86 = arith.constant 0 : i32
      %dma_wait3A_87 = tpu.memref_slice %arg8[%dma_wait3A_85, %dma_wait3A_86] : memref<1000x128xf32, #tpu.memory_space<vmem_shared>> -> memref<200x128xf32, #tpu.memory_space<vmem_shared>>
      %dma_wait3A_88 = arith.constant 800 : i32
      %dma_wait3A_89 = tpu.memref_slice %arg2[%dma_wait3A_88, %multiple_of3A] : memref<1000x16384xf32, #tpu.memory_space<hbm>> -> memref<200x128xf32, #tpu.memory_space<hbm>>
      tpu.wait_dma2 semaphore(%arg11 : memref<!tpu.dma_semaphore, #tpu.memory_space<semaphore_mem>>) src(%dma_wait3A_89 : memref<200x128xf32, #tpu.memory_space<hbm>>) dst(%dma_wait3A_87 : memref<200x128xf32, #tpu.memory_space<vmem_shared>>)
      "tpu.region"() ({
        %run_scoped3A = tpu.sem_alloc : memref<!tpu.dma_semaphore, #tpu.memory_space<semaphore_mem>>
        %dma_start3A_959 = arith.constant 0 : i32
        %dma_start3A_960 = tpu.memref_slice %arg8[%dma_start3A_959, %select_n3A_39] : memref<1000x128xf32, #tpu.memory_space<vmem_shared>> -> memref<1000x1xf32, #tpu.memory_space<vmem_shared>>
        %dma_start3A_961 = tpu.memref_squeeze %dma_start3A_960 : memref<1000x1xf32, #tpu.memory_space<vmem_shared>> -> memref<1000xf32, #tpu.memory_space<vmem_shared>>
        %dma_start3A_962 = arith.constant 0 : i32
        %dma_start3A_963 = tpu.memref_slice %arg8[%dma_start3A_962, %select_n3A_39] : memref<1000x128xf32, #tpu.memory_space<vmem_shared>> -> memref<1000x1xf32, #tpu.memory_space<vmem_shared>>
        %dma_start3A_964 = tpu.memref_squeeze %dma_start3A_963 : memref<1000x1xf32, #tpu.memory_space<vmem_shared>> -> memref<1000xf32, #tpu.memory_space<vmem_shared>>
        tpu.enqueue_dma source(%dma_start3A_964 : memref<1000xf32, #tpu.memory_space<vmem_shared>>) target(%arg9 : memref<1000xf32, #tpu.memory_space<vmem>>) target_semaphore(%run_scoped3A : memref<!tpu.dma_semaphore, #tpu.memory_space<semaphore_mem>>)
        %dma_wait3A_965 = arith.constant 0 : i32
        %dma_wait3A_966 = tpu.memref_slice %arg8[%dma_wait3A_965, %select_n3A_39] : memref<1000x128xf32, #tpu.memory_space<vmem_shared>> -> memref<1000x1xf32, #tpu.memory_space<vmem_shared>>
        %dma_wait3A_967 = tpu.memref_squeeze %dma_wait3A_966 : memref<1000x1xf32, #tpu.memory_space<vmem_shared>> -> memref<1000xf32, #tpu.memory_space<vmem_shared>>
        %dma_wait3A_968 = arith.constant 0 : i32
        %dma_wait3A_969 = tpu.memref_slice %arg8[%dma_wait3A_968, %select_n3A_39] : memref<1000x128xf32, #tpu.memory_space<vmem_shared>> -> memref<1000x1xf32, #tpu.memory_space<vmem_shared>>
        %dma_wait3A_970 = tpu.memref_squeeze %dma_wait3A_969 : memref<1000x1xf32, #tpu.memory_space<vmem_shared>> -> memref<1000xf32, #tpu.memory_space<vmem_shared>>
        tpu.wait_dma2 semaphore(%run_scoped3A : memref<!tpu.dma_semaphore, #tpu.memory_space<semaphore_mem>>) src(%dma_wait3A_970 : memref<1000xf32, #tpu.memory_space<vmem_shared>>) dst(%arg9 : memref<1000xf32, #tpu.memory_space<vmem>>)
        tpu.yield
      }) : () -> ()
      %get3A_90 = arith.constant 0 : index
      %get3A_91 = tpu.vector_load %arg7[%get3A_90] {strides = array<i32>} : memref<16xi32, #tpu.memory_space<vmem>>, vector<16xi32>,
      %get3A_92 = vector.shape_cast %get3A_91 : vector<16xi32> to vector<16xi32>
      %iota3A = tpu.iota {dimensions = array<i32: 0>} : vector<16xi32>
      %broadcast_in_dim3A = arith.constant 0.000000e+00 : f32
      %broadcast_in_dim3A_93 = vector.broadcast %broadcast_in_dim3A : f32 to vector<16xf32>
      %broadcast_in_dim3A_94 = arith.constant 0.000000e+00 : f32
      %broadcast_in_dim3A_95 = vector.broadcast %broadcast_in_dim3A_94 : f32 to vector<16xf32>
      %get3A_96 = arith.constant 0 : index
      %get3A_97 = tpu.vector_load %arg9[%get3A_96] {strides = array<i32>} : memref<1000xf32, #tpu.memory_space<vmem>>, vector<16xf32>,
      %get3A_98 = vector.shape_cast %get3A_97 : vector<16xf32> to vector<16xf32>
      %add3A_99 = arith.constant 0 : i32
      %add3A_100 = vector.broadcast %add3A_99 : i32 to vector<16xi32>
      %add3A_101 = arith.addi %iota3A, %add3A_100 : vector<16xi32>
      %add3A_102 = arith.addf %broadcast_in_dim3A_93, %get3A_98 : vector<16xf32>
      %eq3A_103 = arith.cmpi eq, %add3A_101, %get3A_92 : vector<16xi32>
      %jit3A_104 = arith.constant 0.000000e+00 : f32
      %broadcast_in_dim3A_105 = vector.broadcast %jit3A_104 : f32 to vector<16xf32>
      %select_n3A_106 = arith.select %eq3A_103, %get3A_98, %broadcast_in_dim3A_105 : vector<16xi1>, vector<16xf32>
      %add3A_107 = arith.addf %broadcast_in_dim3A_95, %select_n3A_106 : vector<16xf32>
      %get3A_108 = arith.constant 16 : index
      %get3A_109 = tpu.vector_load %arg9[%get3A_108] {strides = array<i32>} : memref<1000xf32, #tpu.memory_space<vmem>>, vector<16xf32>,
      %get3A_110 = vector.shape_cast %get3A_109 : vector<16xf32> to vector<16xf32>
      %add3A_111 = arith.constant 16 : i32
      %add3A_112 = vector.broadcast %add3A_111 : i32 to vector<16xi32>
      %add3A_113 = arith.addi %iota3A, %add3A_112 : vector<16xi32>
      %add3A_114 = arith.addf %add3A_102, %get3A_110 : vector<16xf32>
      %eq3A_115 = arith.cmpi eq, %add3A_113, %get3A_92 : vector<16xi32>
      %jit3A_116 = arith.constant 0.000000e+00 : f32
      %broadcast_in_dim3A_117 = vector.broadcast %jit3A_116 : f32 to vector<16xf32>
      %select_n3A_118 = arith.select %eq3A_115, %get3A_110, %broadcast_in_dim3A_117 : vector<16xi1>, vector<16xf32>
      %add3A_119 = arith.addf %add3A_107, %select_n3A_118 : vector<16xf32>
      %get3A_120 = arith.constant 32 : index
      %get3A_121 = tpu.vector_load %arg9[%get3A_120] {strides = array<i32>} : memref<1000xf32, #tpu.memory_space<vmem>>, vector<16xf32>,
      %get3A_122 = vector.shape_cast %get3A_121 : vector<16xf32> to vector<16xf32>
      %add3A_123 = arith.constant 32 : i32
      %add3A_124 = vector.broadcast %add3A_123 : i32 to vector<16xi32>
      %add3A_125 = arith.addi %iota3A, %add3A_124 : vector<16xi32>
      %add3A_126 = arith.addf %add3A_114, %get3A_122 : vector<16xf32>
      %eq3A_127 = arith.cmpi eq, %add3A_125, %get3A_92 : vector<16xi32>
      %jit3A_128 = arith.constant 0.000000e+00 : f32
      %broadcast_in_dim3A_129 = vector.broadcast %jit3A_128 : f32 to vector<16xf32>
      %select_n3A_130 = arith.select %eq3A_127, %get3A_122, %broadcast_in_dim3A_129 : vector<16xi1>, vector<16xf32>
      %add3A_131 = arith.addf %add3A_119, %select_n3A_130 : vector<16xf32>
      %get3A_132 = arith.constant 48 : index
      %get3A_133 = tpu.vector_load %arg9[%get3A_132] {strides = array<i32>} : memref<1000xf32, #tpu.memory_space<vmem>>, vector<16xf32>,
      %get3A_134 = vector.shape_cast %get3A_133 : vector<16xf32> to vector<16xf32>
      %add3A_135 = arith.constant 48 : i32
      %add3A_136 = vector.broadcast %add3A_135 : i32 to vector<16xi32>
      %add3A_137 = arith.addi %iota3A, %add3A_136 : vector<16xi32>
      %add3A_138 = arith.addf %add3A_126, %get3A_134 : vector<16xf32>
      %eq3A_139 = arith.cmpi eq, %add3A_137, %get3A_92 : vector<16xi32>
      %jit3A_140 = arith.constant 0.000000e+00 : f32
      %broadcast_in_dim3A_141 = vector.broadcast %jit3A_140 : f32 to vector<16xf32>
      %select_n3A_142 = arith.select %eq3A_139, %get3A_134, %broadcast_in_dim3A_141 : vector<16xi1>, vector<16xf32>
      %add3A_143 = arith.addf %add3A_131, %select_n3A_142 : vector<16xf32>
      %get3A_144 = arith.constant 64 : index
      %get3A_145 = tpu.vector_load %arg9[%get3A_144] {strides = array<i32>} : memref<1000xf32, #tpu.memory_space<vmem>>, vector<16xf32>,
      %get3A_146 = vector.shape_cast %get3A_145 : vector<16xf32> to vector<16xf32>
      %add3A_147 = arith.constant 64 : i32
      %add3A_148 = vector.broadcast %add3A_147 : i32 to vector<16xi32>
      %add3A_149 = arith.addi %iota3A, %add3A_148 : vector<16xi32>
      %add3A_150 = arith.addf %add3A_138, %get3A_146 : vector<16xf32>
      %eq3A_151 = arith.cmpi eq, %add3A_149, %get3A_92 : vector<16xi32>
      %jit3A_152 = arith.constant 0.000000e+00 : f32
      %broadcast_in_dim3A_153 = vector.broadcast %jit3A_152 : f32 to vector<16xf32>
      %select_n3A_154 = arith.select %eq3A_151, %get3A_146, %broadcast_in_dim3A_153 : vector<16xi1>, vector<16xf32>
      %add3A_155 = arith.addf %add3A_143, %select_n3A_154 : vector<16xf32>
      %get3A_156 = arith.constant 80 : index
      %get3A_157 = tpu.vector_load %arg9[%get3A_156] {strides = array<i32>} : memref<1000xf32, #tpu.memory_space<vmem>>, vector<16xf32>,
      %get3A_158 = vector.shape_cast %get3A_157 : vector<16xf32> to vector<16xf32>
      %add3A_159 = arith.constant 80 : i32
      %add3A_160 = vector.broadcast %add3A_159 : i32 to vector<16xi32>
      %add3A_161 = arith.addi %iota3A, %add3A_160 : vector<16xi32>
      %add3A_162 = arith.addf %add3A_150, %get3A_158 : vector<16xf32>
      %eq3A_163 = arith.cmpi eq, %add3A_161, %get3A_92 : vector<16xi32>
      %jit3A_164 = arith.constant 0.000000e+00 : f32
      %broadcast_in_dim3A_165 = vector.broadcast %jit3A_164 : f32 to vector<16xf32>
      %select_n3A_166 = arith.select %eq3A_163, %get3A_158, %broadcast_in_dim3A_165 : vector<16xi1>, vector<16xf32>
      %add3A_167 = arith.addf %add3A_155, %select_n3A_166 : vector<16xf32>
      %get3A_168 = arith.constant 96 : index
      %get3A_169 = tpu.vector_load %arg9[%get3A_168] {strides = array<i32>} : memref<1000xf32, #tpu.memory_space<vmem>>, vector<16xf32>,
      %get3A_170 = vector.shape_cast %get3A_169 : vector<16xf32> to vector<16xf32>
      %add3A_171 = arith.constant 96 : i32
      %add3A_172 = vector.broadcast %add3A_171 : i32 to vector<16xi32>
      %add3A_173 = arith.addi %iota3A, %add3A_172 : vector<16xi32>
      %add3A_174 = arith.addf %add3A_162, %get3A_170 : vector<16xf32>
      %eq3A_175 = arith.cmpi eq, %add3A_173, %get3A_92 : vector<16xi32>
      %jit3A_176 = arith.constant 0.000000e+00 : f32
      %broadcast_in_dim3A_177 = vector.broadcast %jit3A_176 : f32 to vector<16xf32>
      %select_n3A_178 = arith.select %eq3A_175, %get3A_170, %broadcast_in_dim3A_177 : vector<16xi1>, vector<16xf32>
      %add3A_179 = arith.addf %add3A_167, %select_n3A_178 : vector<16xf32>
      %get3A_180 = arith.constant 112 : index
      %get3A_181 = tpu.vector_load %arg9[%get3A_180] {strides = array<i32>} : memref<1000xf32, #tpu.memory_space<vmem>>, vector<16xf32>,
      %get3A_182 = vector.shape_cast %get3A_181 : vector<16xf32> to vector<16xf32>
      %add3A_183 = arith.constant 112 : i32
      %add3A_184 = vector.broadcast %add3A_183 : i32 to vector<16xi32>
      %add3A_185 = arith.addi %iota3A, %add3A_184 : vector<16xi32>
      %add3A_186 = arith.addf %add3A_174, %get3A_182 : vector<16xf32>
      %eq3A_187 = arith.cmpi eq, %add3A_185, %get3A_92 : vector<16xi32>
      %jit3A_188 = arith.constant 0.000000e+00 : f32
      %broadcast_in_dim3A_189 = vector.broadcast %jit3A_188 : f32 to vector<16xf32>
      %select_n3A_190 = arith.select %eq3A_187, %get3A_182, %broadcast_in_dim3A_189 : vector<16xi1>, vector<16xf32>
      %add3A_191 = arith.addf %add3A_179, %select_n3A_190 : vector<16xf32>
      %get3A_192 = arith.constant 128 : index
      %get3A_193 = tpu.vector_load %arg9[%get3A_192] {strides = array<i32>} : memref<1000xf32, #tpu.memory_space<vmem>>, vector<16xf32>,
      %get3A_194 = vector.shape_cast %get3A_193 : vector<16xf32> to vector<16xf32>
      %add3A_195 = arith.constant 128 : i32
      %add3A_196 = vector.broadcast %add3A_195 : i32 to vector<16xi32>
      %add3A_197 = arith.addi %iota3A, %add3A_196 : vector<16xi32>
      %add3A_198 = arith.addf %add3A_186, %get3A_194 : vector<16xf32>
      %eq3A_199 = arith.cmpi eq, %add3A_197, %get3A_92 : vector<16xi32>
      %jit3A_200 = arith.constant 0.000000e+00 : f32
      %broadcast_in_dim3A_201 = vector.broadcast %jit3A_200 : f32 to vector<16xf32>
      %select_n3A_202 = arith.select %eq3A_199, %get3A_194, %broadcast_in_dim3A_201 : vector<16xi1>, vector<16xf32>
      %add3A_203 = arith.addf %add3A_191, %select_n3A_202 : vector<16xf32>
      %get3A_204 = arith.constant 144 : index
      %get3A_205 = tpu.vector_load %arg9[%get3A_204] {strides = array<i32>} : memref<1000xf32, #tpu.memory_space<vmem>>, vector<16xf32>,
      %get3A_206 = vector.shape_cast %get3A_205 : vector<16xf32> to vector<16xf32>
      %add3A_207 = arith.constant 144 : i32
      %add3A_208 = vector.broadcast %add3A_207 : i32 to vector<16xi32>
      %add3A_209 = arith.addi %iota3A, %add3A_208 : vector<16xi32>
      %add3A_210 = arith.addf %add3A_198, %get3A_206 : vector<16xf32>
      %eq3A_211 = arith.cmpi eq, %add3A_209, %get3A_92 : vector<16xi32>
      %jit3A_212 = arith.constant 0.000000e+00 : f32
      %broadcast_in_dim3A_213 = vector.broadcast %jit3A_212 : f32 to vector<16xf32>
      %select_n3A_214 = arith.select %eq3A_211, %get3A_206, %broadcast_in_dim3A_213 : vector<16xi1>, vector<16xf32>
      %add3A_215 = arith.addf %add3A_203, %select_n3A_214 : vector<16xf32>
      %get3A_216 = arith.constant 160 : index
      %get3A_217 = tpu.vector_load %arg9[%get3A_216] {strides = array<i32>} : memref<1000xf32, #tpu.memory_space<vmem>>, vector<16xf32>,
      %get3A_218 = vector.shape_cast %get3A_217 : vector<16xf32> to vector<16xf32>
      %add3A_219 = arith.constant 160 : i32
      %add3A_220 = vector.broadcast %add3A_219 : i32 to vector<16xi32>
      %add3A_221 = arith.addi %iota3A, %add3A_220 : vector<16xi32>
      %add3A_222 = arith.addf %add3A_210, %get3A_218 : vector<16xf32>
      %eq3A_223 = arith.cmpi eq, %add3A_221, %get3A_92 : vector<16xi32>
      %jit3A_224 = arith.constant 0.000000e+00 : f32
      %broadcast_in_dim3A_225 = vector.broadcast %jit3A_224 : f32 to vector<16xf32>
      %select_n3A_226 = arith.select %eq3A_223, %get3A_218, %broadcast_in_dim3A_225 : vector<16xi1>, vector<16xf32>
      %add3A_227 = arith.addf %add3A_215, %select_n3A_226 : vector<16xf32>
      %get3A_228 = arith.constant 176 : index
      %get3A_229 = tpu.vector_load %arg9[%get3A_228] {strides = array<i32>} : memref<1000xf32, #tpu.memory_space<vmem>>, vector<16xf32>,
      %get3A_230 = vector.shape_cast %get3A_229 : vector<16xf32> to vector<16xf32>
      %add3A_231 = arith.constant 176 : i32
      %add3A_232 = vector.broadcast %add3A_231 : i32 to vector<16xi32>
      %add3A_233 = arith.addi %iota3A, %add3A_232 : vector<16xi32>
      %add3A_234 = arith.addf %add3A_222, %get3A_230 : vector<16xf32>
      %eq3A_235 = arith.cmpi eq, %add3A_233, %get3A_92 : vector<16xi32>
      %jit3A_236 = arith.constant 0.000000e+00 : f32
      %broadcast_in_dim3A_237 = vector.broadcast %jit3A_236 : f32 to vector<16xf32>
      %select_n3A_238 = arith.select %eq3A_235, %get3A_230, %broadcast_in_dim3A_237 : vector<16xi1>, vector<16xf32>
      %add3A_239 = arith.addf %add3A_227, %select_n3A_238 : vector<16xf32>
      %get3A_240 = arith.constant 192 : index
      %get3A_241 = tpu.vector_load %arg9[%get3A_240] {strides = array<i32>} : memref<1000xf32, #tpu.memory_space<vmem>>, vector<16xf32>,
      %get3A_242 = vector.shape_cast %get3A_241 : vector<16xf32> to vector<16xf32>
      %add3A_243 = arith.constant 192 : i32
      %add3A_244 = vector.broadcast %add3A_243 : i32 to vector<16xi32>
      %add3A_245 = arith.addi %iota3A, %add3A_244 : vector<16xi32>
      %add3A_246 = arith.addf %add3A_234, %get3A_242 : vector<16xf32>
      %eq3A_247 = arith.cmpi eq, %add3A_245, %get3A_92 : vector<16xi32>
      %jit3A_248 = arith.constant 0.000000e+00 : f32
      %broadcast_in_dim3A_249 = vector.broadcast %jit3A_248 : f32 to vector<16xf32>
      %select_n3A_250 = arith.select %eq3A_247, %get3A_242, %broadcast_in_dim3A_249 : vector<16xi1>, vector<16xf32>
      %add3A_251 = arith.addf %add3A_239, %select_n3A_250 : vector<16xf32>
      %get3A_252 = arith.constant 208 : index
      %get3A_253 = tpu.vector_load %arg9[%get3A_252] {strides = array<i32>} : memref<1000xf32, #tpu.memory_space<vmem>>, vector<16xf32>,
      %get3A_254 = vector.shape_cast %get3A_253 : vector<16xf32> to vector<16xf32>
      %add3A_255 = arith.constant 208 : i32
      %add3A_256 = vector.broadcast %add3A_255 : i32 to vector<16xi32>
      %add3A_257 = arith.addi %iota3A, %add3A_256 : vector<16xi32>
      %add3A_258 = arith.addf %add3A_246, %get3A_254 : vector<16xf32>
      %eq3A_259 = arith.cmpi eq, %add3A_257, %get3A_92 : vector<16xi32>
      %jit3A_260 = arith.constant 0.000000e+00 : f32
      %broadcast_in_dim3A_261 = vector.broadcast %jit3A_260 : f32 to vector<16xf32>
      %select_n3A_262 = arith.select %eq3A_259, %get3A_254, %broadcast_in_dim3A_261 : vector<16xi1>, vector<16xf32>
      %add3A_263 = arith.addf %add3A_251, %select_n3A_262 : vector<16xf32>
      %get3A_264 = arith.constant 224 : index
      %get3A_265 = tpu.vector_load %arg9[%get3A_264] {strides = array<i32>} : memref<1000xf32, #tpu.memory_space<vmem>>, vector<16xf32>,
      %get3A_266 = vector.shape_cast %get3A_265 : vector<16xf32> to vector<16xf32>
      %add3A_267 = arith.constant 224 : i32
      %add3A_268 = vector.broadcast %add3A_267 : i32 to vector<16xi32>
      %add3A_269 = arith.addi %iota3A, %add3A_268 : vector<16xi32>
      %add3A_270 = arith.addf %add3A_258, %get3A_266 : vector<16xf32>
      %eq3A_271 = arith.cmpi eq, %add3A_269, %get3A_92 : vector<16xi32>
      %jit3A_272 = arith.constant 0.000000e+00 : f32
      %broadcast_in_dim3A_273 = vector.broadcast %jit3A_272 : f32 to vector<16xf32>
      %select_n3A_274 = arith.select %eq3A_271, %get3A_266, %broadcast_in_dim3A_273 : vector<16xi1>, vector<16xf32>
      %add3A_275 = arith.addf %add3A_263, %select_n3A_274 : vector<16xf32>
      %get3A_276 = arith.constant 240 : index
      %get3A_277 = tpu.vector_load %arg9[%get3A_276] {strides = array<i32>} : memref<1000xf32, #tpu.memory_space<vmem>>, vector<16xf32>,
      %get3A_278 = vector.shape_cast %get3A_277 : vector<16xf32> to vector<16xf32>
      %add3A_279 = arith.constant 240 : i32
      %add3A_280 = vector.broadcast %add3A_279 : i32 to vector<16xi32>
      %add3A_281 = arith.addi %iota3A, %add3A_280 : vector<16xi32>
      %add3A_282 = arith.addf %add3A_270, %get3A_278 : vector<16xf32>
      %eq3A_283 = arith.cmpi eq, %add3A_281, %get3A_92 : vector<16xi32>
      %jit3A_284 = arith.constant 0.000000e+00 : f32
      %broadcast_in_dim3A_285 = vector.broadcast %jit3A_284 : f32 to vector<16xf32>
      %select_n3A_286 = arith.select %eq3A_283, %get3A_278, %broadcast_in_dim3A_285 : vector<16xi1>, vector<16xf32>
      %add3A_287 = arith.addf %add3A_275, %select_n3A_286 : vector<16xf32>
      %get3A_288 = arith.constant 256 : index
      %get3A_289 = tpu.vector_load %arg9[%get3A_288] {strides = array<i32>} : memref<1000xf32, #tpu.memory_space<vmem>>, vector<16xf32>,
      %get3A_290 = vector.shape_cast %get3A_289 : vector<16xf32> to vector<16xf32>
      %add3A_291 = arith.constant 256 : i32
      %add3A_292 = vector.broadcast %add3A_291 : i32 to vector<16xi32>
      %add3A_293 = arith.addi %iota3A, %add3A_292 : vector<16xi32>
      %add3A_294 = arith.addf %add3A_282, %get3A_290 : vector<16xf32>
      %eq3A_295 = arith.cmpi eq, %add3A_293, %get3A_92 : vector<16xi32>
      %jit3A_296 = arith.constant 0.000000e+00 : f32
      %broadcast_in_dim3A_297 = vector.broadcast %jit3A_296 : f32 to vector<16xf32>
      %select_n3A_298 = arith.select %eq3A_295, %get3A_290, %broadcast_in_dim3A_297 : vector<16xi1>, vector<16xf32>
      %add3A_299 = arith.addf %add3A_287, %select_n3A_298 : vector<16xf32>
      %get3A_300 = arith.constant 272 : index
      %get3A_301 = tpu.vector_load %arg9[%get3A_300] {strides = array<i32>} : memref<1000xf32, #tpu.memory_space<vmem>>, vector<16xf32>,
      %get3A_302 = vector.shape_cast %get3A_301 : vector<16xf32> to vector<16xf32>
      %add3A_303 = arith.constant 272 : i32
      %add3A_304 = vector.broadcast %add3A_303 : i32 to vector<16xi32>
      %add3A_305 = arith.addi %iota3A, %add3A_304 : vector<16xi32>
      %add3A_306 = arith.addf %add3A_294, %get3A_302 : vector<16xf32>
      %eq3A_307 = arith.cmpi eq, %add3A_305, %get3A_92 : vector<16xi32>
      %jit3A_308 = arith.constant 0.000000e+00 : f32
      %broadcast_in_dim3A_309 = vector.broadcast %jit3A_308 : f32 to vector<16xf32>
      %select_n3A_310 = arith.select %eq3A_307, %get3A_302, %broadcast_in_dim3A_309 : vector<16xi1>, vector<16xf32>
      %add3A_311 = arith.addf %add3A_299, %select_n3A_310 : vector<16xf32>
      %get3A_312 = arith.constant 288 : index
      %get3A_313 = tpu.vector_load %arg9[%get3A_312] {strides = array<i32>} : memref<1000xf32, #tpu.memory_space<vmem>>, vector<16xf32>,
      %get3A_314 = vector.shape_cast %get3A_313 : vector<16xf32> to vector<16xf32>
      %add3A_315 = arith.constant 288 : i32
      %add3A_316 = vector.broadcast %add3A_315 : i32 to vector<16xi32>
      %add3A_317 = arith.addi %iota3A, %add3A_316 : vector<16xi32>
      %add3A_318 = arith.addf %add3A_306, %get3A_314 : vector<16xf32>
      %eq3A_319 = arith.cmpi eq, %add3A_317, %get3A_92 : vector<16xi32>
      %jit3A_320 = arith.constant 0.000000e+00 : f32
      %broadcast_in_dim3A_321 = vector.broadcast %jit3A_320 : f32 to vector<16xf32>
      %select_n3A_322 = arith.select %eq3A_319, %get3A_314, %broadcast_in_dim3A_321 : vector<16xi1>, vector<16xf32>
      %add3A_323 = arith.addf %add3A_311, %select_n3A_322 : vector<16xf32>
      %get3A_324 = arith.constant 304 : index
      %get3A_325 = tpu.vector_load %arg9[%get3A_324] {strides = array<i32>} : memref<1000xf32, #tpu.memory_space<vmem>>, vector<16xf32>,
      %get3A_326 = vector.shape_cast %get3A_325 : vector<16xf32> to vector<16xf32>
      %add3A_327 = arith.constant 304 : i32
      %add3A_328 = vector.broadcast %add3A_327 : i32 to vector<16xi32>
      %add3A_329 = arith.addi %iota3A, %add3A_328 : vector<16xi32>
      %add3A_330 = arith.addf %add3A_318, %get3A_326 : vector<16xf32>
      %eq3A_331 = arith.cmpi eq, %add3A_329, %get3A_92 : vector<16xi32>
      %jit3A_332 = arith.constant 0.000000e+00 : f32
      %broadcast_in_dim3A_333 = vector.broadcast %jit3A_332 : f32 to vector<16xf32>
      %select_n3A_334 = arith.select %eq3A_331, %get3A_326, %broadcast_in_dim3A_333 : vector<16xi1>, vector<16xf32>
      %add3A_335 = arith.addf %add3A_323, %select_n3A_334 : vector<16xf32>
      %get3A_336 = arith.constant 320 : index
      %get3A_337 = tpu.vector_load %arg9[%get3A_336] {strides = array<i32>} : memref<1000xf32, #tpu.memory_space<vmem>>, vector<16xf32>,
      %get3A_338 = vector.shape_cast %get3A_337 : vector<16xf32> to vector<16xf32>
      %add3A_339 = arith.constant 320 : i32
      %add3A_340 = vector.broadcast %add3A_339 : i32 to vector<16xi32>
      %add3A_341 = arith.addi %iota3A, %add3A_340 : vector<16xi32>
      %add3A_342 = arith.addf %add3A_330, %get3A_338 : vector<16xf32>
      %eq3A_343 = arith.cmpi eq, %add3A_341, %get3A_92 : vector<16xi32>
      %jit3A_344 = arith.constant 0.000000e+00 : f32
      %broadcast_in_dim3A_345 = vector.broadcast %jit3A_344 : f32 to vector<16xf32>
      %select_n3A_346 = arith.select %eq3A_343, %get3A_338, %broadcast_in_dim3A_345 : vector<16xi1>, vector<16xf32>
      %add3A_347 = arith.addf %add3A_335, %select_n3A_346 : vector<16xf32>
      %get3A_348 = arith.constant 336 : index
      %get3A_349 = tpu.vector_load %arg9[%get3A_348] {strides = array<i32>} : memref<1000xf32, #tpu.memory_space<vmem>>, vector<16xf32>,
      %get3A_350 = vector.shape_cast %get3A_349 : vector<16xf32> to vector<16xf32>
      %add3A_351 = arith.constant 336 : i32
      %add3A_352 = vector.broadcast %add3A_351 : i32 to vector<16xi32>
      %add3A_353 = arith.addi %iota3A, %add3A_352 : vector<16xi32>
      %add3A_354 = arith.addf %add3A_342, %get3A_350 : vector<16xf32>
      %eq3A_355 = arith.cmpi eq, %add3A_353, %get3A_92 : vector<16xi32>
      %jit3A_356 = arith.constant 0.000000e+00 : f32
      %broadcast_in_dim3A_357 = vector.broadcast %jit3A_356 : f32 to vector<16xf32>
      %select_n3A_358 = arith.select %eq3A_355, %get3A_350, %broadcast_in_dim3A_357 : vector<16xi1>, vector<16xf32>
      %add3A_359 = arith.addf %add3A_347, %select_n3A_358 : vector<16xf32>
      %get3A_360 = arith.constant 352 : index
      %get3A_361 = tpu.vector_load %arg9[%get3A_360] {strides = array<i32>} : memref<1000xf32, #tpu.memory_space<vmem>>, vector<16xf32>,
      %get3A_362 = vector.shape_cast %get3A_361 : vector<16xf32> to vector<16xf32>
      %add3A_363 = arith.constant 352 : i32
      %add3A_364 = vector.broadcast %add3A_363 : i32 to vector<16xi32>
      %add3A_365 = arith.addi %iota3A, %add3A_364 : vector<16xi32>
      %add3A_366 = arith.addf %add3A_354, %get3A_362 : vector<16xf32>
      %eq3A_367 = arith.cmpi eq, %add3A_365, %get3A_92 : vector<16xi32>
      %jit3A_368 = arith.constant 0.000000e+00 : f32
      %broadcast_in_dim3A_369 = vector.broadcast %jit3A_368 : f32 to vector<16xf32>
      %select_n3A_370 = arith.select %eq3A_367, %get3A_362, %broadcast_in_dim3A_369 : vector<16xi1>, vector<16xf32>
      %add3A_371 = arith.addf %add3A_359, %select_n3A_370 : vector<16xf32>
      %get3A_372 = arith.constant 368 : index
      %get3A_373 = tpu.vector_load %arg9[%get3A_372] {strides = array<i32>} : memref<1000xf32, #tpu.memory_space<vmem>>, vector<16xf32>,
      %get3A_374 = vector.shape_cast %get3A_373 : vector<16xf32> to vector<16xf32>
      %add3A_375 = arith.constant 368 : i32
      %add3A_376 = vector.broadcast %add3A_375 : i32 to vector<16xi32>
      %add3A_377 = arith.addi %iota3A, %add3A_376 : vector<16xi32>
      %add3A_378 = arith.addf %add3A_366, %get3A_374 : vector<16xf32>
      %eq3A_379 = arith.cmpi eq, %add3A_377, %get3A_92 : vector<16xi32>
      %jit3A_380 = arith.constant 0.000000e+00 : f32
      %broadcast_in_dim3A_381 = vector.broadcast %jit3A_380 : f32 to vector<16xf32>
      %select_n3A_382 = arith.select %eq3A_379, %get3A_374, %broadcast_in_dim3A_381 : vector<16xi1>, vector<16xf32>
      %add3A_383 = arith.addf %add3A_371, %select_n3A_382 : vector<16xf32>
      %get3A_384 = arith.constant 384 : index
      %get3A_385 = tpu.vector_load %arg9[%get3A_384] {strides = array<i32>} : memref<1000xf32, #tpu.memory_space<vmem>>, vector<16xf32>,
      %get3A_386 = vector.shape_cast %get3A_385 : vector<16xf32> to vector<16xf32>
      %add3A_387 = arith.constant 384 : i32
      %add3A_388 = vector.broadcast %add3A_387 : i32 to vector<16xi32>
      %add3A_389 = arith.addi %iota3A, %add3A_388 : vector<16xi32>
      %add3A_390 = arith.addf %add3A_378, %get3A_386 : vector<16xf32>
      %eq3A_391 = arith.cmpi eq, %add3A_389, %get3A_92 : vector<16xi32>
      %jit3A_392 = arith.constant 0.000000e+00 : f32
      %broadcast_in_dim3A_393 = vector.broadcast %jit3A_392 : f32 to vector<16xf32>
      %select_n3A_394 = arith.select %eq3A_391, %get3A_386, %broadcast_in_dim3A_393 : vector<16xi1>, vector<16xf32>
      %add3A_395 = arith.addf %add3A_383, %select_n3A_394 : vector<16xf32>
      %get3A_396 = arith.constant 400 : index
      %get3A_397 = tpu.vector_load %arg9[%get3A_396] {strides = array<i32>} : memref<1000xf32, #tpu.memory_space<vmem>>, vector<16xf32>,
      %get3A_398 = vector.shape_cast %get3A_397 : vector<16xf32> to vector<16xf32>
      %add3A_399 = arith.constant 400 : i32
      %add3A_400 = vector.broadcast %add3A_399 : i32 to vector<16xi32>
      %add3A_401 = arith.addi %iota3A, %add3A_400 : vector<16xi32>
      %add3A_402 = arith.addf %add3A_390, %get3A_398 : vector<16xf32>
      %eq3A_403 = arith.cmpi eq, %add3A_401, %get3A_92 : vector<16xi32>
      %jit3A_404 = arith.constant 0.000000e+00 : f32
      %broadcast_in_dim3A_405 = vector.broadcast %jit3A_404 : f32 to vector<16xf32>
      %select_n3A_406 = arith.select %eq3A_403, %get3A_398, %broadcast_in_dim3A_405 : vector<16xi1>, vector<16xf32>
      %add3A_407 = arith.addf %add3A_395, %select_n3A_406 : vector<16xf32>
      %get3A_408 = arith.constant 416 : index
      %get3A_409 = tpu.vector_load %arg9[%get3A_408] {strides = array<i32>} : memref<1000xf32, #tpu.memory_space<vmem>>, vector<16xf32>,
      %get3A_410 = vector.shape_cast %get3A_409 : vector<16xf32> to vector<16xf32>
      %add3A_411 = arith.constant 416 : i32
      %add3A_412 = vector.broadcast %add3A_411 : i32 to vector<16xi32>
      %add3A_413 = arith.addi %iota3A, %add3A_412 : vector<16xi32>
      %add3A_414 = arith.addf %add3A_402, %get3A_410 : vector<16xf32>
      %eq3A_415 = arith.cmpi eq, %add3A_413, %get3A_92 : vector<16xi32>
      %jit3A_416 = arith.constant 0.000000e+00 : f32
      %broadcast_in_dim3A_417 = vector.broadcast %jit3A_416 : f32 to vector<16xf32>
      %select_n3A_418 = arith.select %eq3A_415, %get3A_410, %broadcast_in_dim3A_417 : vector<16xi1>, vector<16xf32>
      %add3A_419 = arith.addf %add3A_407, %select_n3A_418 : vector<16xf32>
      %get3A_420 = arith.constant 432 : index
      %get3A_421 = tpu.vector_load %arg9[%get3A_420] {strides = array<i32>} : memref<1000xf32, #tpu.memory_space<vmem>>, vector<16xf32>,
      %get3A_422 = vector.shape_cast %get3A_421 : vector<16xf32> to vector<16xf32>
      %add3A_423 = arith.constant 432 : i32
      %add3A_424 = vector.broadcast %add3A_423 : i32 to vector<16xi32>
      %add3A_425 = arith.addi %iota3A, %add3A_424 : vector<16xi32>
      %add3A_426 = arith.addf %add3A_414, %get3A_422 : vector<16xf32>
      %eq3A_427 = arith.cmpi eq, %add3A_425, %get3A_92 : vector<16xi32>
      %jit3A_428 = arith.constant 0.000000e+00 : f32
      %broadcast_in_dim3A_429 = vector.broadcast %jit3A_428 : f32 to vector<16xf32>
      %select_n3A_430 = arith.select %eq3A_427, %get3A_422, %broadcast_in_dim3A_429 : vector<16xi1>, vector<16xf32>
      %add3A_431 = arith.addf %add3A_419, %select_n3A_430 : vector<16xf32>
      %get3A_432 = arith.constant 448 : index
      %get3A_433 = tpu.vector_load %arg9[%get3A_432] {strides = array<i32>} : memref<1000xf32, #tpu.memory_space<vmem>>, vector<16xf32>,
      %get3A_434 = vector.shape_cast %get3A_433 : vector<16xf32> to vector<16xf32>
      %add3A_435 = arith.constant 448 : i32
      %add3A_436 = vector.broadcast %add3A_435 : i32 to vector<16xi32>
      %add3A_437 = arith.addi %iota3A, %add3A_436 : vector<16xi32>
      %add3A_438 = arith.addf %add3A_426, %get3A_434 : vector<16xf32>
      %eq3A_439 = arith.cmpi eq, %add3A_437, %get3A_92 : vector<16xi32>
      %jit3A_440 = arith.constant 0.000000e+00 : f32
      %broadcast_in_dim3A_441 = vector.broadcast %jit3A_440 : f32 to vector<16xf32>
      %select_n3A_442 = arith.select %eq3A_439, %get3A_434, %broadcast_in_dim3A_441 : vector<16xi1>, vector<16xf32>
      %add3A_443 = arith.addf %add3A_431, %select_n3A_442 : vector<16xf32>
      %get3A_444 = arith.constant 464 : index
      %get3A_445 = tpu.vector_load %arg9[%get3A_444] {strides = array<i32>} : memref<1000xf32, #tpu.memory_space<vmem>>, vector<16xf32>,
      %get3A_446 = vector.shape_cast %get3A_445 : vector<16xf32> to vector<16xf32>
      %add3A_447 = arith.constant 464 : i32
      %add3A_448 = vector.broadcast %add3A_447 : i32 to vector<16xi32>
      %add3A_449 = arith.addi %iota3A, %add3A_448 : vector<16xi32>
      %add3A_450 = arith.addf %add3A_438, %get3A_446 : vector<16xf32>
      %eq3A_451 = arith.cmpi eq, %add3A_449, %get3A_92 : vector<16xi32>
      %jit3A_452 = arith.constant 0.000000e+00 : f32
      %broadcast_in_dim3A_453 = vector.broadcast %jit3A_452 : f32 to vector<16xf32>
      %select_n3A_454 = arith.select %eq3A_451, %get3A_446, %broadcast_in_dim3A_453 : vector<16xi1>, vector<16xf32>
      %add3A_455 = arith.addf %add3A_443, %select_n3A_454 : vector<16xf32>
      %get3A_456 = arith.constant 480 : index
      %get3A_457 = tpu.vector_load %arg9[%get3A_456] {strides = array<i32>} : memref<1000xf32, #tpu.memory_space<vmem>>, vector<16xf32>,
      %get3A_458 = vector.shape_cast %get3A_457 : vector<16xf32> to vector<16xf32>
      %add3A_459 = arith.constant 480 : i32
      %add3A_460 = vector.broadcast %add3A_459 : i32 to vector<16xi32>
      %add3A_461 = arith.addi %iota3A, %add3A_460 : vector<16xi32>
      %add3A_462 = arith.addf %add3A_450, %get3A_458 : vector<16xf32>
      %eq3A_463 = arith.cmpi eq, %add3A_461, %get3A_92 : vector<16xi32>
      %jit3A_464 = arith.constant 0.000000e+00 : f32
      %broadcast_in_dim3A_465 = vector.broadcast %jit3A_464 : f32 to vector<16xf32>
      %select_n3A_466 = arith.select %eq3A_463, %get3A_458, %broadcast_in_dim3A_465 : vector<16xi1>, vector<16xf32>
      %add3A_467 = arith.addf %add3A_455, %select_n3A_466 : vector<16xf32>
      %get3A_468 = arith.constant 496 : index
      %get3A_469 = tpu.vector_load %arg9[%get3A_468] {strides = array<i32>} : memref<1000xf32, #tpu.memory_space<vmem>>, vector<16xf32>,
      %get3A_470 = vector.shape_cast %get3A_469 : vector<16xf32> to vector<16xf32>
      %add3A_471 = arith.constant 496 : i32
      %add3A_472 = vector.broadcast %add3A_471 : i32 to vector<16xi32>
      %add3A_473 = arith.addi %iota3A, %add3A_472 : vector<16xi32>
      %add3A_474 = arith.addf %add3A_462, %get3A_470 : vector<16xf32>
      %eq3A_475 = arith.cmpi eq, %add3A_473, %get3A_92 : vector<16xi32>
      %jit3A_476 = arith.constant 0.000000e+00 : f32
      %broadcast_in_dim3A_477 = vector.broadcast %jit3A_476 : f32 to vector<16xf32>
      %select_n3A_478 = arith.select %eq3A_475, %get3A_470, %broadcast_in_dim3A_477 : vector<16xi1>, vector<16xf32>
      %add3A_479 = arith.addf %add3A_467, %select_n3A_478 : vector<16xf32>
      %get3A_480 = arith.constant 512 : index
      %get3A_481 = tpu.vector_load %arg9[%get3A_480] {strides = array<i32>} : memref<1000xf32, #tpu.memory_space<vmem>>, vector<16xf32>,
      %get3A_482 = vector.shape_cast %get3A_481 : vector<16xf32> to vector<16xf32>
      %add3A_483 = arith.constant 512 : i32
      %add3A_484 = vector.broadcast %add3A_483 : i32 to vector<16xi32>
      %add3A_485 = arith.addi %iota3A, %add3A_484 : vector<16xi32>
      %add3A_486 = arith.addf %add3A_474, %get3A_482 : vector<16xf32>
      %eq3A_487 = arith.cmpi eq, %add3A_485, %get3A_92 : vector<16xi32>
      %jit3A_488 = arith.constant 0.000000e+00 : f32
      %broadcast_in_dim3A_489 = vector.broadcast %jit3A_488 : f32 to vector<16xf32>
      %select_n3A_490 = arith.select %eq3A_487, %get3A_482, %broadcast_in_dim3A_489 : vector<16xi1>, vector<16xf32>
      %add3A_491 = arith.addf %add3A_479, %select_n3A_490 : vector<16xf32>
      %get3A_492 = arith.constant 528 : index
      %get3A_493 = tpu.vector_load %arg9[%get3A_492] {strides = array<i32>} : memref<1000xf32, #tpu.memory_space<vmem>>, vector<16xf32>,
      %get3A_494 = vector.shape_cast %get3A_493 : vector<16xf32> to vector<16xf32>
      %add3A_495 = arith.constant 528 : i32
      %add3A_496 = vector.broadcast %add3A_495 : i32 to vector<16xi32>
      %add3A_497 = arith.addi %iota3A, %add3A_496 : vector<16xi32>
      %add3A_498 = arith.addf %add3A_486, %get3A_494 : vector<16xf32>
      %eq3A_499 = arith.cmpi eq, %add3A_497, %get3A_92 : vector<16xi32>
      %jit3A_500 = arith.constant 0.000000e+00 : f32
      %broadcast_in_dim3A_501 = vector.broadcast %jit3A_500 : f32 to vector<16xf32>
      %select_n3A_502 = arith.select %eq3A_499, %get3A_494, %broadcast_in_dim3A_501 : vector<16xi1>, vector<16xf32>
      %add3A_503 = arith.addf %add3A_491, %select_n3A_502 : vector<16xf32>
      %get3A_504 = arith.constant 544 : index
      %get3A_505 = tpu.vector_load %arg9[%get3A_504] {strides = array<i32>} : memref<1000xf32, #tpu.memory_space<vmem>>, vector<16xf32>,
      %get3A_506 = vector.shape_cast %get3A_505 : vector<16xf32> to vector<16xf32>
      %add3A_507 = arith.constant 544 : i32
      %add3A_508 = vector.broadcast %add3A_507 : i32 to vector<16xi32>
      %add3A_509 = arith.addi %iota3A, %add3A_508 : vector<16xi32>
      %add3A_510 = arith.addf %add3A_498, %get3A_506 : vector<16xf32>
      %eq3A_511 = arith.cmpi eq, %add3A_509, %get3A_92 : vector<16xi32>
      %jit3A_512 = arith.constant 0.000000e+00 : f32
      %broadcast_in_dim3A_513 = vector.broadcast %jit3A_512 : f32 to vector<16xf32>
      %select_n3A_514 = arith.select %eq3A_511, %get3A_506, %broadcast_in_dim3A_513 : vector<16xi1>, vector<16xf32>
      %add3A_515 = arith.addf %add3A_503, %select_n3A_514 : vector<16xf32>
      %get3A_516 = arith.constant 560 : index
      %get3A_517 = tpu.vector_load %arg9[%get3A_516] {strides = array<i32>} : memref<1000xf32, #tpu.memory_space<vmem>>, vector<16xf32>,
      %get3A_518 = vector.shape_cast %get3A_517 : vector<16xf32> to vector<16xf32>
      %add3A_519 = arith.constant 560 : i32
      %add3A_520 = vector.broadcast %add3A_519 : i32 to vector<16xi32>
      %add3A_521 = arith.addi %iota3A, %add3A_520 : vector<16xi32>
      %add3A_522 = arith.addf %add3A_510, %get3A_518 : vector<16xf32>
      %eq3A_523 = arith.cmpi eq, %add3A_521, %get3A_92 : vector<16xi32>
      %jit3A_524 = arith.constant 0.000000e+00 : f32
      %broadcast_in_dim3A_525 = vector.broadcast %jit3A_524 : f32 to vector<16xf32>
      %select_n3A_526 = arith.select %eq3A_523, %get3A_518, %broadcast_in_dim3A_525 : vector<16xi1>, vector<16xf32>
      %add3A_527 = arith.addf %add3A_515, %select_n3A_526 : vector<16xf32>
      %get3A_528 = arith.constant 576 : index
      %get3A_529 = tpu.vector_load %arg9[%get3A_528] {strides = array<i32>} : memref<1000xf32, #tpu.memory_space<vmem>>, vector<16xf32>,
      %get3A_530 = vector.shape_cast %get3A_529 : vector<16xf32> to vector<16xf32>
      %add3A_531 = arith.constant 576 : i32
      %add3A_532 = vector.broadcast %add3A_531 : i32 to vector<16xi32>
      %add3A_533 = arith.addi %iota3A, %add3A_532 : vector<16xi32>
      %add3A_534 = arith.addf %add3A_522, %get3A_530 : vector<16xf32>
      %eq3A_535 = arith.cmpi eq, %add3A_533, %get3A_92 : vector<16xi32>
      %jit3A_536 = arith.constant 0.000000e+00 : f32
      %broadcast_in_dim3A_537 = vector.broadcast %jit3A_536 : f32 to vector<16xf32>
      %select_n3A_538 = arith.select %eq3A_535, %get3A_530, %broadcast_in_dim3A_537 : vector<16xi1>, vector<16xf32>
      %add3A_539 = arith.addf %add3A_527, %select_n3A_538 : vector<16xf32>
      %get3A_540 = arith.constant 592 : index
      %get3A_541 = tpu.vector_load %arg9[%get3A_540] {strides = array<i32>} : memref<1000xf32, #tpu.memory_space<vmem>>, vector<16xf32>,
      %get3A_542 = vector.shape_cast %get3A_541 : vector<16xf32> to vector<16xf32>
      %add3A_543 = arith.constant 592 : i32
      %add3A_544 = vector.broadcast %add3A_543 : i32 to vector<16xi32>
      %add3A_545 = arith.addi %iota3A, %add3A_544 : vector<16xi32>
      %add3A_546 = arith.addf %add3A_534, %get3A_542 : vector<16xf32>
      %eq3A_547 = arith.cmpi eq, %add3A_545, %get3A_92 : vector<16xi32>
      %jit3A_548 = arith.constant 0.000000e+00 : f32
      %broadcast_in_dim3A_549 = vector.broadcast %jit3A_548 : f32 to vector<16xf32>
      %select_n3A_550 = arith.select %eq3A_547, %get3A_542, %broadcast_in_dim3A_549 : vector<16xi1>, vector<16xf32>
      %add3A_551 = arith.addf %add3A_539, %select_n3A_550 : vector<16xf32>
      %get3A_552 = arith.constant 608 : index
      %get3A_553 = tpu.vector_load %arg9[%get3A_552] {strides = array<i32>} : memref<1000xf32, #tpu.memory_space<vmem>>, vector<16xf32>,
      %get3A_554 = vector.shape_cast %get3A_553 : vector<16xf32> to vector<16xf32>
      %add3A_555 = arith.constant 608 : i32
      %add3A_556 = vector.broadcast %add3A_555 : i32 to vector<16xi32>
      %add3A_557 = arith.addi %iota3A, %add3A_556 : vector<16xi32>
      %add3A_558 = arith.addf %add3A_546, %get3A_554 : vector<16xf32>
      %eq3A_559 = arith.cmpi eq, %add3A_557, %get3A_92 : vector<16xi32>
      %jit3A_560 = arith.constant 0.000000e+00 : f32
      %broadcast_in_dim3A_561 = vector.broadcast %jit3A_560 : f32 to vector<16xf32>
      %select_n3A_562 = arith.select %eq3A_559, %get3A_554, %broadcast_in_dim3A_561 : vector<16xi1>, vector<16xf32>
      %add3A_563 = arith.addf %add3A_551, %select_n3A_562 : vector<16xf32>
      %get3A_564 = arith.constant 624 : index
      %get3A_565 = tpu.vector_load %arg9[%get3A_564] {strides = array<i32>} : memref<1000xf32, #tpu.memory_space<vmem>>, vector<16xf32>,
      %get3A_566 = vector.shape_cast %get3A_565 : vector<16xf32> to vector<16xf32>
      %add3A_567 = arith.constant 624 : i32
      %add3A_568 = vector.broadcast %add3A_567 : i32 to vector<16xi32>
      %add3A_569 = arith.addi %iota3A, %add3A_568 : vector<16xi32>
      %add3A_570 = arith.addf %add3A_558, %get3A_566 : vector<16xf32>
      %eq3A_571 = arith.cmpi eq, %add3A_569, %get3A_92 : vector<16xi32>
      %jit3A_572 = arith.constant 0.000000e+00 : f32
      %broadcast_in_dim3A_573 = vector.broadcast %jit3A_572 : f32 to vector<16xf32>
      %select_n3A_574 = arith.select %eq3A_571, %get3A_566, %broadcast_in_dim3A_573 : vector<16xi1>, vector<16xf32>
      %add3A_575 = arith.addf %add3A_563, %select_n3A_574 : vector<16xf32>
      %get3A_576 = arith.constant 640 : index
      %get3A_577 = tpu.vector_load %arg9[%get3A_576] {strides = array<i32>} : memref<1000xf32, #tpu.memory_space<vmem>>, vector<16xf32>,
      %get3A_578 = vector.shape_cast %get3A_577 : vector<16xf32> to vector<16xf32>
      %add3A_579 = arith.constant 640 : i32
      %add3A_580 = vector.broadcast %add3A_579 : i32 to vector<16xi32>
      %add3A_581 = arith.addi %iota3A, %add3A_580 : vector<16xi32>
      %add3A_582 = arith.addf %add3A_570, %get3A_578 : vector<16xf32>
      %eq3A_583 = arith.cmpi eq, %add3A_581, %get3A_92 : vector<16xi32>
      %jit3A_584 = arith.constant 0.000000e+00 : f32
      %broadcast_in_dim3A_585 = vector.broadcast %jit3A_584 : f32 to vector<16xf32>
      %select_n3A_586 = arith.select %eq3A_583, %get3A_578, %broadcast_in_dim3A_585 : vector<16xi1>, vector<16xf32>
      %add3A_587 = arith.addf %add3A_575, %select_n3A_586 : vector<16xf32>
      %get3A_588 = arith.constant 656 : index
      %get3A_589 = tpu.vector_load %arg9[%get3A_588] {strides = array<i32>} : memref<1000xf32, #tpu.memory_space<vmem>>, vector<16xf32>,
      %get3A_590 = vector.shape_cast %get3A_589 : vector<16xf32> to vector<16xf32>
      %add3A_591 = arith.constant 656 : i32
      %add3A_592 = vector.broadcast %add3A_591 : i32 to vector<16xi32>
      %add3A_593 = arith.addi %iota3A, %add3A_592 : vector<16xi32>
      %add3A_594 = arith.addf %add3A_582, %get3A_590 : vector<16xf32>
      %eq3A_595 = arith.cmpi eq, %add3A_593, %get3A_92 : vector<16xi32>
      %jit3A_596 = arith.constant 0.000000e+00 : f32
      %broadcast_in_dim3A_597 = vector.broadcast %jit3A_596 : f32 to vector<16xf32>
      %select_n3A_598 = arith.select %eq3A_595, %get3A_590, %broadcast_in_dim3A_597 : vector<16xi1>, vector<16xf32>
      %add3A_599 = arith.addf %add3A_587, %select_n3A_598 : vector<16xf32>
      %get3A_600 = arith.constant 672 : index
      %get3A_601 = tpu.vector_load %arg9[%get3A_600] {strides = array<i32>} : memref<1000xf32, #tpu.memory_space<vmem>>, vector<16xf32>,
      %get3A_602 = vector.shape_cast %get3A_601 : vector<16xf32> to vector<16xf32>
      %add3A_603 = arith.constant 672 : i32
      %add3A_604 = vector.broadcast %add3A_603 : i32 to vector<16xi32>
      %add3A_605 = arith.addi %iota3A, %add3A_604 : vector<16xi32>
      %add3A_606 = arith.addf %add3A_594, %get3A_602 : vector<16xf32>
      %eq3A_607 = arith.cmpi eq, %add3A_605, %get3A_92 : vector<16xi32>
      %jit3A_608 = arith.constant 0.000000e+00 : f32
      %broadcast_in_dim3A_609 = vector.broadcast %jit3A_608 : f32 to vector<16xf32>
      %select_n3A_610 = arith.select %eq3A_607, %get3A_602, %broadcast_in_dim3A_609 : vector<16xi1>, vector<16xf32>
      %add3A_611 = arith.addf %add3A_599, %select_n3A_610 : vector<16xf32>
      %get3A_612 = arith.constant 688 : index
      %get3A_613 = tpu.vector_load %arg9[%get3A_612] {strides = array<i32>} : memref<1000xf32, #tpu.memory_space<vmem>>, vector<16xf32>,
      %get3A_614 = vector.shape_cast %get3A_613 : vector<16xf32> to vector<16xf32>
      %add3A_615 = arith.constant 688 : i32
      %add3A_616 = vector.broadcast %add3A_615 : i32 to vector<16xi32>
      %add3A_617 = arith.addi %iota3A, %add3A_616 : vector<16xi32>
      %add3A_618 = arith.addf %add3A_606, %get3A_614 : vector<16xf32>
      %eq3A_619 = arith.cmpi eq, %add3A_617, %get3A_92 : vector<16xi32>
      %jit3A_620 = arith.constant 0.000000e+00 : f32
      %broadcast_in_dim3A_621 = vector.broadcast %jit3A_620 : f32 to vector<16xf32>
      %select_n3A_622 = arith.select %eq3A_619, %get3A_614, %broadcast_in_dim3A_621 : vector<16xi1>, vector<16xf32>
      %add3A_623 = arith.addf %add3A_611, %select_n3A_622 : vector<16xf32>
      %get3A_624 = arith.constant 704 : index
      %get3A_625 = tpu.vector_load %arg9[%get3A_624] {strides = array<i32>} : memref<1000xf32, #tpu.memory_space<vmem>>, vector<16xf32>,
      %get3A_626 = vector.shape_cast %get3A_625 : vector<16xf32> to vector<16xf32>
      %add3A_627 = arith.constant 704 : i32
      %add3A_628 = vector.broadcast %add3A_627 : i32 to vector<16xi32>
      %add3A_629 = arith.addi %iota3A, %add3A_628 : vector<16xi32>
      %add3A_630 = arith.addf %add3A_618, %get3A_626 : vector<16xf32>
      %eq3A_631 = arith.cmpi eq, %add3A_629, %get3A_92 : vector<16xi32>
      %jit3A_632 = arith.constant 0.000000e+00 : f32
      %broadcast_in_dim3A_633 = vector.broadcast %jit3A_632 : f32 to vector<16xf32>
      %select_n3A_634 = arith.select %eq3A_631, %get3A_626, %broadcast_in_dim3A_633 : vector<16xi1>, vector<16xf32>
      %add3A_635 = arith.addf %add3A_623, %select_n3A_634 : vector<16xf32>
      %get3A_636 = arith.constant 720 : index
      %get3A_637 = tpu.vector_load %arg9[%get3A_636] {strides = array<i32>} : memref<1000xf32, #tpu.memory_space<vmem>>, vector<16xf32>,
      %get3A_638 = vector.shape_cast %get3A_637 : vector<16xf32> to vector<16xf32>
      %add3A_639 = arith.constant 720 : i32
      %add3A_640 = vector.broadcast %add3A_639 : i32 to vector<16xi32>
      %add3A_641 = arith.addi %iota3A, %add3A_640 : vector<16xi32>
      %add3A_642 = arith.addf %add3A_630, %get3A_638 : vector<16xf32>
      %eq3A_643 = arith.cmpi eq, %add3A_641, %get3A_92 : vector<16xi32>
      %jit3A_644 = arith.constant 0.000000e+00 : f32
      %broadcast_in_dim3A_645 = vector.broadcast %jit3A_644 : f32 to vector<16xf32>
      %select_n3A_646 = arith.select %eq3A_643, %get3A_638, %broadcast_in_dim3A_645 : vector<16xi1>, vector<16xf32>
      %add3A_647 = arith.addf %add3A_635, %select_n3A_646 : vector<16xf32>
      %get3A_648 = arith.constant 736 : index
      %get3A_649 = tpu.vector_load %arg9[%get3A_648] {strides = array<i32>} : memref<1000xf32, #tpu.memory_space<vmem>>, vector<16xf32>,
      %get3A_650 = vector.shape_cast %get3A_649 : vector<16xf32> to vector<16xf32>
      %add3A_651 = arith.constant 736 : i32
      %add3A_652 = vector.broadcast %add3A_651 : i32 to vector<16xi32>
      %add3A_653 = arith.addi %iota3A, %add3A_652 : vector<16xi32>
      %add3A_654 = arith.addf %add3A_642, %get3A_650 : vector<16xf32>
      %eq3A_655 = arith.cmpi eq, %add3A_653, %get3A_92 : vector<16xi32>
      %jit3A_656 = arith.constant 0.000000e+00 : f32
      %broadcast_in_dim3A_657 = vector.broadcast %jit3A_656 : f32 to vector<16xf32>
      %select_n3A_658 = arith.select %eq3A_655, %get3A_650, %broadcast_in_dim3A_657 : vector<16xi1>, vector<16xf32>
      %add3A_659 = arith.addf %add3A_647, %select_n3A_658 : vector<16xf32>
      %get3A_660 = arith.constant 752 : index
      %get3A_661 = tpu.vector_load %arg9[%get3A_660] {strides = array<i32>} : memref<1000xf32, #tpu.memory_space<vmem>>, vector<16xf32>,
      %get3A_662 = vector.shape_cast %get3A_661 : vector<16xf32> to vector<16xf32>
      %add3A_663 = arith.constant 752 : i32
      %add3A_664 = vector.broadcast %add3A_663 : i32 to vector<16xi32>
      %add3A_665 = arith.addi %iota3A, %add3A_664 : vector<16xi32>
      %add3A_666 = arith.addf %add3A_654, %get3A_662 : vector<16xf32>
      %eq3A_667 = arith.cmpi eq, %add3A_665, %get3A_92 : vector<16xi32>
      %jit3A_668 = arith.constant 0.000000e+00 : f32
      %broadcast_in_dim3A_669 = vector.broadcast %jit3A_668 : f32 to vector<16xf32>
      %select_n3A_670 = arith.select %eq3A_667, %get3A_662, %broadcast_in_dim3A_669 : vector<16xi1>, vector<16xf32>
      %add3A_671 = arith.addf %add3A_659, %select_n3A_670 : vector<16xf32>
      %get3A_672 = arith.constant 768 : index
      %get3A_673 = tpu.vector_load %arg9[%get3A_672] {strides = array<i32>} : memref<1000xf32, #tpu.memory_space<vmem>>, vector<16xf32>,
      %get3A_674 = vector.shape_cast %get3A_673 : vector<16xf32> to vector<16xf32>
      %add3A_675 = arith.constant 768 : i32
      %add3A_676 = vector.broadcast %add3A_675 : i32 to vector<16xi32>
      %add3A_677 = arith.addi %iota3A, %add3A_676 : vector<16xi32>
      %add3A_678 = arith.addf %add3A_666, %get3A_674 : vector<16xf32>
      %eq3A_679 = arith.cmpi eq, %add3A_677, %get3A_92 : vector<16xi32>
      %jit3A_680 = arith.constant 0.000000e+00 : f32
      %broadcast_in_dim3A_681 = vector.broadcast %jit3A_680 : f32 to vector<16xf32>
      %select_n3A_682 = arith.select %eq3A_679, %get3A_674, %broadcast_in_dim3A_681 : vector<16xi1>, vector<16xf32>
      %add3A_683 = arith.addf %add3A_671, %select_n3A_682 : vector<16xf32>
      %get3A_684 = arith.constant 784 : index
      %get3A_685 = tpu.vector_load %arg9[%get3A_684] {strides = array<i32>} : memref<1000xf32, #tpu.memory_space<vmem>>, vector<16xf32>,
      %get3A_686 = vector.shape_cast %get3A_685 : vector<16xf32> to vector<16xf32>
      %add3A_687 = arith.constant 784 : i32
      %add3A_688 = vector.broadcast %add3A_687 : i32 to vector<16xi32>
      %add3A_689 = arith.addi %iota3A, %add3A_688 : vector<16xi32>
      %add3A_690 = arith.addf %add3A_678, %get3A_686 : vector<16xf32>
      %eq3A_691 = arith.cmpi eq, %add3A_689, %get3A_92 : vector<16xi32>
      %jit3A_692 = arith.constant 0.000000e+00 : f32
      %broadcast_in_dim3A_693 = vector.broadcast %jit3A_692 : f32 to vector<16xf32>
      %select_n3A_694 = arith.select %eq3A_691, %get3A_686, %broadcast_in_dim3A_693 : vector<16xi1>, vector<16xf32>
      %add3A_695 = arith.addf %add3A_683, %select_n3A_694 : vector<16xf32>
      %get3A_696 = arith.constant 800 : index
      %get3A_697 = tpu.vector_load %arg9[%get3A_696] {strides = array<i32>} : memref<1000xf32, #tpu.memory_space<vmem>>, vector<16xf32>,
      %get3A_698 = vector.shape_cast %get3A_697 : vector<16xf32> to vector<16xf32>
      %add3A_699 = arith.constant 800 : i32
      %add3A_700 = vector.broadcast %add3A_699 : i32 to vector<16xi32>
      %add3A_701 = arith.addi %iota3A, %add3A_700 : vector<16xi32>
      %add3A_702 = arith.addf %add3A_690, %get3A_698 : vector<16xf32>
      %eq3A_703 = arith.cmpi eq, %add3A_701, %get3A_92 : vector<16xi32>
      %jit3A_704 = arith.constant 0.000000e+00 : f32
      %broadcast_in_dim3A_705 = vector.broadcast %jit3A_704 : f32 to vector<16xf32>
      %select_n3A_706 = arith.select %eq3A_703, %get3A_698, %broadcast_in_dim3A_705 : vector<16xi1>, vector<16xf32>
      %add3A_707 = arith.addf %add3A_695, %select_n3A_706 : vector<16xf32>
      %get3A_708 = arith.constant 816 : index
      %get3A_709 = tpu.vector_load %arg9[%get3A_708] {strides = array<i32>} : memref<1000xf32, #tpu.memory_space<vmem>>, vector<16xf32>,
      %get3A_710 = vector.shape_cast %get3A_709 : vector<16xf32> to vector<16xf32>
      %add3A_711 = arith.constant 816 : i32
      %add3A_712 = vector.broadcast %add3A_711 : i32 to vector<16xi32>
      %add3A_713 = arith.addi %iota3A, %add3A_712 : vector<16xi32>
      %add3A_714 = arith.addf %add3A_702, %get3A_710 : vector<16xf32>
      %eq3A_715 = arith.cmpi eq, %add3A_713, %get3A_92 : vector<16xi32>
      %jit3A_716 = arith.constant 0.000000e+00 : f32
      %broadcast_in_dim3A_717 = vector.broadcast %jit3A_716 : f32 to vector<16xf32>
      %select_n3A_718 = arith.select %eq3A_715, %get3A_710, %broadcast_in_dim3A_717 : vector<16xi1>, vector<16xf32>
      %add3A_719 = arith.addf %add3A_707, %select_n3A_718 : vector<16xf32>
      %get3A_720 = arith.constant 832 : index
      %get3A_721 = tpu.vector_load %arg9[%get3A_720] {strides = array<i32>} : memref<1000xf32, #tpu.memory_space<vmem>>, vector<16xf32>,
      %get3A_722 = vector.shape_cast %get3A_721 : vector<16xf32> to vector<16xf32>
      %add3A_723 = arith.constant 832 : i32
      %add3A_724 = vector.broadcast %add3A_723 : i32 to vector<16xi32>
      %add3A_725 = arith.addi %iota3A, %add3A_724 : vector<16xi32>
      %add3A_726 = arith.addf %add3A_714, %get3A_722 : vector<16xf32>
      %eq3A_727 = arith.cmpi eq, %add3A_725, %get3A_92 : vector<16xi32>
      %jit3A_728 = arith.constant 0.000000e+00 : f32
      %broadcast_in_dim3A_729 = vector.broadcast %jit3A_728 : f32 to vector<16xf32>
      %select_n3A_730 = arith.select %eq3A_727, %get3A_722, %broadcast_in_dim3A_729 : vector<16xi1>, vector<16xf32>
      %add3A_731 = arith.addf %add3A_719, %select_n3A_730 : vector<16xf32>
      %get3A_732 = arith.constant 848 : index
      %get3A_733 = tpu.vector_load %arg9[%get3A_732] {strides = array<i32>} : memref<1000xf32, #tpu.memory_space<vmem>>, vector<16xf32>,
      %get3A_734 = vector.shape_cast %get3A_733 : vector<16xf32> to vector<16xf32>
      %add3A_735 = arith.constant 848 : i32
      %add3A_736 = vector.broadcast %add3A_735 : i32 to vector<16xi32>
      %add3A_737 = arith.addi %iota3A, %add3A_736 : vector<16xi32>
      %add3A_738 = arith.addf %add3A_726, %get3A_734 : vector<16xf32>
      %eq3A_739 = arith.cmpi eq, %add3A_737, %get3A_92 : vector<16xi32>
      %jit3A_740 = arith.constant 0.000000e+00 : f32
      %broadcast_in_dim3A_741 = vector.broadcast %jit3A_740 : f32 to vector<16xf32>
      %select_n3A_742 = arith.select %eq3A_739, %get3A_734, %broadcast_in_dim3A_741 : vector<16xi1>, vector<16xf32>
      %add3A_743 = arith.addf %add3A_731, %select_n3A_742 : vector<16xf32>
      %get3A_744 = arith.constant 864 : index
      %get3A_745 = tpu.vector_load %arg9[%get3A_744] {strides = array<i32>} : memref<1000xf32, #tpu.memory_space<vmem>>, vector<16xf32>,
      %get3A_746 = vector.shape_cast %get3A_745 : vector<16xf32> to vector<16xf32>
      %add3A_747 = arith.constant 864 : i32
      %add3A_748 = vector.broadcast %add3A_747 : i32 to vector<16xi32>
      %add3A_749 = arith.addi %iota3A, %add3A_748 : vector<16xi32>
      %add3A_750 = arith.addf %add3A_738, %get3A_746 : vector<16xf32>
      %eq3A_751 = arith.cmpi eq, %add3A_749, %get3A_92 : vector<16xi32>
      %jit3A_752 = arith.constant 0.000000e+00 : f32
      %broadcast_in_dim3A_753 = vector.broadcast %jit3A_752 : f32 to vector<16xf32>
      %select_n3A_754 = arith.select %eq3A_751, %get3A_746, %broadcast_in_dim3A_753 : vector<16xi1>, vector<16xf32>
      %add3A_755 = arith.addf %add3A_743, %select_n3A_754 : vector<16xf32>
      %get3A_756 = arith.constant 880 : index
      %get3A_757 = tpu.vector_load %arg9[%get3A_756] {strides = array<i32>} : memref<1000xf32, #tpu.memory_space<vmem>>, vector<16xf32>,
      %get3A_758 = vector.shape_cast %get3A_757 : vector<16xf32> to vector<16xf32>
      %add3A_759 = arith.constant 880 : i32
      %add3A_760 = vector.broadcast %add3A_759 : i32 to vector<16xi32>
      %add3A_761 = arith.addi %iota3A, %add3A_760 : vector<16xi32>
      %add3A_762 = arith.addf %add3A_750, %get3A_758 : vector<16xf32>
      %eq3A_763 = arith.cmpi eq, %add3A_761, %get3A_92 : vector<16xi32>
      %jit3A_764 = arith.constant 0.000000e+00 : f32
      %broadcast_in_dim3A_765 = vector.broadcast %jit3A_764 : f32 to vector<16xf32>
      %select_n3A_766 = arith.select %eq3A_763, %get3A_758, %broadcast_in_dim3A_765 : vector<16xi1>, vector<16xf32>
      %add3A_767 = arith.addf %add3A_755, %select_n3A_766 : vector<16xf32>
      %get3A_768 = arith.constant 896 : index
      %get3A_769 = tpu.vector_load %arg9[%get3A_768] {strides = array<i32>} : memref<1000xf32, #tpu.memory_space<vmem>>, vector<16xf32>,
      %get3A_770 = vector.shape_cast %get3A_769 : vector<16xf32> to vector<16xf32>
      %add3A_771 = arith.constant 896 : i32
      %add3A_772 = vector.broadcast %add3A_771 : i32 to vector<16xi32>
      %add3A_773 = arith.addi %iota3A, %add3A_772 : vector<16xi32>
      %add3A_774 = arith.addf %add3A_762, %get3A_770 : vector<16xf32>
      %eq3A_775 = arith.cmpi eq, %add3A_773, %get3A_92 : vector<16xi32>
      %jit3A_776 = arith.constant 0.000000e+00 : f32
      %broadcast_in_dim3A_777 = vector.broadcast %jit3A_776 : f32 to vector<16xf32>
      %select_n3A_778 = arith.select %eq3A_775, %get3A_770, %broadcast_in_dim3A_777 : vector<16xi1>, vector<16xf32>
      %add3A_779 = arith.addf %add3A_767, %select_n3A_778 : vector<16xf32>
      %get3A_780 = arith.constant 912 : index
      %get3A_781 = tpu.vector_load %arg9[%get3A_780] {strides = array<i32>} : memref<1000xf32, #tpu.memory_space<vmem>>, vector<16xf32>,
      %get3A_782 = vector.shape_cast %get3A_781 : vector<16xf32> to vector<16xf32>
      %add3A_783 = arith.constant 912 : i32
      %add3A_784 = vector.broadcast %add3A_783 : i32 to vector<16xi32>
      %add3A_785 = arith.addi %iota3A, %add3A_784 : vector<16xi32>
      %add3A_786 = arith.addf %add3A_774, %get3A_782 : vector<16xf32>
      %eq3A_787 = arith.cmpi eq, %add3A_785, %get3A_92 : vector<16xi32>
      %jit3A_788 = arith.constant 0.000000e+00 : f32
      %broadcast_in_dim3A_789 = vector.broadcast %jit3A_788 : f32 to vector<16xf32>
      %select_n3A_790 = arith.select %eq3A_787, %get3A_782, %broadcast_in_dim3A_789 : vector<16xi1>, vector<16xf32>
      %add3A_791 = arith.addf %add3A_779, %select_n3A_790 : vector<16xf32>
      %get3A_792 = arith.constant 928 : index
      %get3A_793 = tpu.vector_load %arg9[%get3A_792] {strides = array<i32>} : memref<1000xf32, #tpu.memory_space<vmem>>, vector<16xf32>,
      %get3A_794 = vector.shape_cast %get3A_793 : vector<16xf32> to vector<16xf32>
      %add3A_795 = arith.constant 928 : i32
      %add3A_796 = vector.broadcast %add3A_795 : i32 to vector<16xi32>
      %add3A_797 = arith.addi %iota3A, %add3A_796 : vector<16xi32>
      %add3A_798 = arith.addf %add3A_786, %get3A_794 : vector<16xf32>
      %eq3A_799 = arith.cmpi eq, %add3A_797, %get3A_92 : vector<16xi32>
      %jit3A_800 = arith.constant 0.000000e+00 : f32
      %broadcast_in_dim3A_801 = vector.broadcast %jit3A_800 : f32 to vector<16xf32>
      %select_n3A_802 = arith.select %eq3A_799, %get3A_794, %broadcast_in_dim3A_801 : vector<16xi1>, vector<16xf32>
      %add3A_803 = arith.addf %add3A_791, %select_n3A_802 : vector<16xf32>
      %get3A_804 = arith.constant 944 : index
      %get3A_805 = tpu.vector_load %arg9[%get3A_804] {strides = array<i32>} : memref<1000xf32, #tpu.memory_space<vmem>>, vector<16xf32>,
      %get3A_806 = vector.shape_cast %get3A_805 : vector<16xf32> to vector<16xf32>
      %add3A_807 = arith.constant 944 : i32
      %add3A_808 = vector.broadcast %add3A_807 : i32 to vector<16xi32>
      %add3A_809 = arith.addi %iota3A, %add3A_808 : vector<16xi32>
      %add3A_810 = arith.addf %add3A_798, %get3A_806 : vector<16xf32>
      %eq3A_811 = arith.cmpi eq, %add3A_809, %get3A_92 : vector<16xi32>
      %jit3A_812 = arith.constant 0.000000e+00 : f32
      %broadcast_in_dim3A_813 = vector.broadcast %jit3A_812 : f32 to vector<16xf32>
      %select_n3A_814 = arith.select %eq3A_811, %get3A_806, %broadcast_in_dim3A_813 : vector<16xi1>, vector<16xf32>
      %add3A_815 = arith.addf %add3A_803, %select_n3A_814 : vector<16xf32>
      %get3A_816 = arith.constant 960 : index
      %get3A_817 = tpu.vector_load %arg9[%get3A_816] {strides = array<i32>} : memref<1000xf32, #tpu.memory_space<vmem>>, vector<16xf32>,
      %get3A_818 = vector.shape_cast %get3A_817 : vector<16xf32> to vector<16xf32>
      %add3A_819 = arith.constant 960 : i32
      %add3A_820 = vector.broadcast %add3A_819 : i32 to vector<16xi32>
      %add3A_821 = arith.addi %iota3A, %add3A_820 : vector<16xi32>
      %add3A_822 = arith.addf %add3A_810, %get3A_818 : vector<16xf32>
      %eq3A_823 = arith.cmpi eq, %add3A_821, %get3A_92 : vector<16xi32>
      %jit3A_824 = arith.constant 0.000000e+00 : f32
      %broadcast_in_dim3A_825 = vector.broadcast %jit3A_824 : f32 to vector<16xf32>
      %select_n3A_826 = arith.select %eq3A_823, %get3A_818, %broadcast_in_dim3A_825 : vector<16xi1>, vector<16xf32>
      %add3A_827 = arith.addf %add3A_815, %select_n3A_826 : vector<16xf32>
      %get3A_828 = arith.constant 976 : index
      %get3A_829 = tpu.vector_load %arg9[%get3A_828] {strides = array<i32>} : memref<1000xf32, #tpu.memory_space<vmem>>, vector<16xf32>,
      %get3A_830 = vector.shape_cast %get3A_829 : vector<16xf32> to vector<16xf32>
      %add3A_831 = arith.constant 976 : i32
      %add3A_832 = vector.broadcast %add3A_831 : i32 to vector<16xi32>
      %add3A_833 = arith.addi %iota3A, %add3A_832 : vector<16xi32>
      %add3A_834 = arith.addf %add3A_822, %get3A_830 : vector<16xf32>
      %eq3A_835 = arith.cmpi eq, %add3A_833, %get3A_92 : vector<16xi32>
      %jit3A_836 = arith.constant 0.000000e+00 : f32
      %broadcast_in_dim3A_837 = vector.broadcast %jit3A_836 : f32 to vector<16xf32>
      %select_n3A_838 = arith.select %eq3A_835, %get3A_830, %broadcast_in_dim3A_837 : vector<16xi1>, vector<16xf32>
      %add3A_839 = arith.addf %add3A_827, %select_n3A_838 : vector<16xf32>
      %get3A_840 = arith.constant 984 : index
      %get3A_841 = tpu.vector_load %arg9[%get3A_840] {strides = array<i32>} : memref<1000xf32, #tpu.memory_space<vmem>>, vector<16xf32>,
      %get3A_842 = vector.shape_cast %get3A_841 : vector<16xf32> to vector<16xf32>
      %add3A_843 = arith.constant 984 : i32
      %add3A_844 = vector.broadcast %add3A_843 : i32 to vector<16xi32>
      %add3A_845 = arith.addi %iota3A, %add3A_844 : vector<16xi32>
      %ge3A = arith.constant 8 : i32
      %ge3A_846 = vector.broadcast %ge3A : i32 to vector<16xi32>
      %ge3A_847 = arith.cmpi sge, %iota3A, %ge3A_846 : vector<16xi32>
      %jit3A_848 = arith.constant 0.000000e+00 : f32
      %broadcast_in_dim3A_849 = vector.broadcast %jit3A_848 : f32 to vector<16xf32>
      %select_n3A_850 = arith.select %ge3A_847, %get3A_842, %broadcast_in_dim3A_849 : vector<16xi1>, vector<16xf32>
      %add3A_851 = arith.addf %add3A_834, %select_n3A_850 : vector<16xf32>
      %eq3A_852 = arith.cmpi eq, %add3A_845, %get3A_92 : vector<16xi32>
      %and3A_853 = arith.andi %ge3A_847, %eq3A_852 : vector<16xi1>
      %jit3A_854 = arith.constant 0.000000e+00 : f32
      %broadcast_in_dim3A_855 = vector.broadcast %jit3A_854 : f32 to vector<16xf32>
      %select_n3A_856 = arith.select %and3A_853, %get3A_842, %broadcast_in_dim3A_855 : vector<16xi1>, vector<16xf32>
      %add3A_857 = arith.addf %add3A_839, %select_n3A_856 : vector<16xf32>
      %slice3A_858 = vector.extract_strided_slice %add3A_851 {offsets = [0], sizes = [1], strides = [1]} : vector<16xf32> to vector<1xf32>
      %squeeze3A_859 = vector.extract %slice3A_858[0] : f32 from vector<1xf32>
      %slice3A_860 = vector.extract_strided_slice %add3A_857 {offsets = [0], sizes = [1], strides = [1]} : vector<16xf32> to vector<1xf32>
      %squeeze3A_861 = vector.extract %slice3A_860[0] : f32 from vector<1xf32>
      %slice3A_862 = vector.extract_strided_slice %add3A_851 {offsets = [1], sizes = [1], strides = [1]} : vector<16xf32> to vector<1xf32>
      %squeeze3A_863 = vector.extract %slice3A_862[0] : f32 from vector<1xf32>
      %add3A_864 = arith.addf %squeeze3A_859, %squeeze3A_863 : f32
      %slice3A_865 = vector.extract_strided_slice %add3A_857 {offsets = [1], sizes = [1], strides = [1]} : vector<16xf32> to vector<1xf32>
      %squeeze3A_866 = vector.extract %slice3A_865[0] : f32 from vector<1xf32>
      %add3A_867 = arith.addf %squeeze3A_861, %squeeze3A_866 : f32
      %slice3A_868 = vector.extract_strided_slice %add3A_851 {offsets = [2], sizes = [1], strides = [1]} : vector<16xf32> to vector<1xf32>
      %squeeze3A_869 = vector.extract %slice3A_868[0] : f32 from vector<1xf32>
      %add3A_870 = arith.addf %add3A_864, %squeeze3A_869 : f32
      %slice3A_871 = vector.extract_strided_slice %add3A_857 {offsets = [2], sizes = [1], strides = [1]} : vector<16xf32> to vector<1xf32>
      %squeeze3A_872 = vector.extract %slice3A_871[0] : f32 from vector<1xf32>
      %add3A_873 = arith.addf %add3A_867, %squeeze3A_872 : f32
      %slice3A_874 = vector.extract_strided_slice %add3A_851 {offsets = [3], sizes = [1], strides = [1]} : vector<16xf32> to vector<1xf32>
      %squeeze3A_875 = vector.extract %slice3A_874[0] : f32 from vector<1xf32>
      %add3A_876 = arith.addf %add3A_870, %squeeze3A_875 : f32
      %slice3A_877 = vector.extract_strided_slice %add3A_857 {offsets = [3], sizes = [1], strides = [1]} : vector<16xf32> to vector<1xf32>
      %squeeze3A_878 = vector.extract %slice3A_877[0] : f32 from vector<1xf32>
      %add3A_879 = arith.addf %add3A_873, %squeeze3A_878 : f32
      %slice3A_880 = vector.extract_strided_slice %add3A_851 {offsets = [4], sizes = [1], strides = [1]} : vector<16xf32> to vector<1xf32>
      %squeeze3A_881 = vector.extract %slice3A_880[0] : f32 from vector<1xf32>
      %add3A_882 = arith.addf %add3A_876, %squeeze3A_881 : f32
      %slice3A_883 = vector.extract_strided_slice %add3A_857 {offsets = [4], sizes = [1], strides = [1]} : vector<16xf32> to vector<1xf32>
      %squeeze3A_884 = vector.extract %slice3A_883[0] : f32 from vector<1xf32>
      %add3A_885 = arith.addf %add3A_879, %squeeze3A_884 : f32
      %slice3A_886 = vector.extract_strided_slice %add3A_851 {offsets = [5], sizes = [1], strides = [1]} : vector<16xf32> to vector<1xf32>
      %squeeze3A_887 = vector.extract %slice3A_886[0] : f32 from vector<1xf32>
      %add3A_888 = arith.addf %add3A_882, %squeeze3A_887 : f32
      %slice3A_889 = vector.extract_strided_slice %add3A_857 {offsets = [5], sizes = [1], strides = [1]} : vector<16xf32> to vector<1xf32>
      %squeeze3A_890 = vector.extract %slice3A_889[0] : f32 from vector<1xf32>
      %add3A_891 = arith.addf %add3A_885, %squeeze3A_890 : f32
      %slice3A_892 = vector.extract_strided_slice %add3A_851 {offsets = [6], sizes = [1], strides = [1]} : vector<16xf32> to vector<1xf32>
      %squeeze3A_893 = vector.extract %slice3A_892[0] : f32 from vector<1xf32>
      %add3A_894 = arith.addf %add3A_888, %squeeze3A_893 : f32
      %slice3A_895 = vector.extract_strided_slice %add3A_857 {offsets = [6], sizes = [1], strides = [1]} : vector<16xf32> to vector<1xf32>
      %squeeze3A_896 = vector.extract %slice3A_895[0] : f32 from vector<1xf32>
      %add3A_897 = arith.addf %add3A_891, %squeeze3A_896 : f32
      %slice3A_898 = vector.extract_strided_slice %add3A_851 {offsets = [7], sizes = [1], strides = [1]} : vector<16xf32> to vector<1xf32>
      %squeeze3A_899 = vector.extract %slice3A_898[0] : f32 from vector<1xf32>
      %add3A_900 = arith.addf %add3A_894, %squeeze3A_899 : f32
      %slice3A_901 = vector.extract_strided_slice %add3A_857 {offsets = [7], sizes = [1], strides = [1]} : vector<16xf32> to vector<1xf32>
      %squeeze3A_902 = vector.extract %slice3A_901[0] : f32 from vector<1xf32>
      %add3A_903 = arith.addf %add3A_897, %squeeze3A_902 : f32
      %slice3A_904 = vector.extract_strided_slice %add3A_851 {offsets = [8], sizes = [1], strides = [1]} : vector<16xf32> to vector<1xf32>
      %squeeze3A_905 = vector.extract %slice3A_904[0] : f32 from vector<1xf32>
      %add3A_906 = arith.addf %add3A_900, %squeeze3A_905 : f32
      %slice3A_907 = vector.extract_strided_slice %add3A_857 {offsets = [8], sizes = [1], strides = [1]} : vector<16xf32> to vector<1xf32>
      %squeeze3A_908 = vector.extract %slice3A_907[0] : f32 from vector<1xf32>
      %add3A_909 = arith.addf %add3A_903, %squeeze3A_908 : f32
      %slice3A_910 = vector.extract_strided_slice %add3A_851 {offsets = [9], sizes = [1], strides = [1]} : vector<16xf32> to vector<1xf32>
      %squeeze3A_911 = vector.extract %slice3A_910[0] : f32 from vector<1xf32>
      %add3A_912 = arith.addf %add3A_906, %squeeze3A_911 : f32
      %slice3A_913 = vector.extract_strided_slice %add3A_857 {offsets = [9], sizes = [1], strides = [1]} : vector<16xf32> to vector<1xf32>
      %squeeze3A_914 = vector.extract %slice3A_913[0] : f32 from vector<1xf32>
      %add3A_915 = arith.addf %add3A_909, %squeeze3A_914 : f32
      %slice3A_916 = vector.extract_strided_slice %add3A_851 {offsets = [10], sizes = [1], strides = [1]} : vector<16xf32> to vector<1xf32>
      %squeeze3A_917 = vector.extract %slice3A_916[0] : f32 from vector<1xf32>
      %add3A_918 = arith.addf %add3A_912, %squeeze3A_917 : f32
      %slice3A_919 = vector.extract_strided_slice %add3A_857 {offsets = [10], sizes = [1], strides = [1]} : vector<16xf32> to vector<1xf32>
      %squeeze3A_920 = vector.extract %slice3A_919[0] : f32 from vector<1xf32>
      %add3A_921 = arith.addf %add3A_915, %squeeze3A_920 : f32
      %slice3A_922 = vector.extract_strided_slice %add3A_851 {offsets = [11], sizes = [1], strides = [1]} : vector<16xf32> to vector<1xf32>
      %squeeze3A_923 = vector.extract %slice3A_922[0] : f32 from vector<1xf32>
      %add3A_924 = arith.addf %add3A_918, %squeeze3A_923 : f32
      %slice3A_925 = vector.extract_strided_slice %add3A_857 {offsets = [11], sizes = [1], strides = [1]} : vector<16xf32> to vector<1xf32>
      %squeeze3A_926 = vector.extract %slice3A_925[0] : f32 from vector<1xf32>
      %add3A_927 = arith.addf %add3A_921, %squeeze3A_926 : f32
      %slice3A_928 = vector.extract_strided_slice %add3A_851 {offsets = [12], sizes = [1], strides = [1]} : vector<16xf32> to vector<1xf32>
      %squeeze3A_929 = vector.extract %slice3A_928[0] : f32 from vector<1xf32>
      %add3A_930 = arith.addf %add3A_924, %squeeze3A_929 : f32
      %slice3A_931 = vector.extract_strided_slice %add3A_857 {offsets = [12], sizes = [1], strides = [1]} : vector<16xf32> to vector<1xf32>
      %squeeze3A_932 = vector.extract %slice3A_931[0] : f32 from vector<1xf32>
      %add3A_933 = arith.addf %add3A_927, %squeeze3A_932 : f32
      %slice3A_934 = vector.extract_strided_slice %add3A_851 {offsets = [13], sizes = [1], strides = [1]} : vector<16xf32> to vector<1xf32>
      %squeeze3A_935 = vector.extract %slice3A_934[0] : f32 from vector<1xf32>
      %add3A_936 = arith.addf %add3A_930, %squeeze3A_935 : f32
      %slice3A_937 = vector.extract_strided_slice %add3A_857 {offsets = [13], sizes = [1], strides = [1]} : vector<16xf32> to vector<1xf32>
      %squeeze3A_938 = vector.extract %slice3A_937[0] : f32 from vector<1xf32>
      %add3A_939 = arith.addf %add3A_933, %squeeze3A_938 : f32
      %slice3A_940 = vector.extract_strided_slice %add3A_851 {offsets = [14], sizes = [1], strides = [1]} : vector<16xf32> to vector<1xf32>
      %squeeze3A_941 = vector.extract %slice3A_940[0] : f32 from vector<1xf32>
      %add3A_942 = arith.addf %add3A_936, %squeeze3A_941 : f32
      %slice3A_943 = vector.extract_strided_slice %add3A_857 {offsets = [14], sizes = [1], strides = [1]} : vector<16xf32> to vector<1xf32>
      %squeeze3A_944 = vector.extract %slice3A_943[0] : f32 from vector<1xf32>
      %add3A_945 = arith.addf %add3A_939, %squeeze3A_944 : f32
      %slice3A_946 = vector.extract_strided_slice %add3A_851 {offsets = [15], sizes = [1], strides = [1]} : vector<16xf32> to vector<1xf32>
      %squeeze3A_947 = vector.extract %slice3A_946[0] : f32 from vector<1xf32>
      %add3A_948 = arith.addf %add3A_942, %squeeze3A_947 : f32
      %slice3A_949 = vector.extract_strided_slice %add3A_857 {offsets = [15], sizes = [1], strides = [1]} : vector<16xf32> to vector<1xf32>
      %squeeze3A_950 = vector.extract %slice3A_949[0] : f32 from vector<1xf32>
      %add3A_951 = arith.addf %add3A_945, %squeeze3A_950 : f32
      %mul3A_952 = arith.constant 1.000000e+03 : f32
      %mul3A_953 = arith.mulf %mul3A_952, %add3A_951 : f32
      %sub3A_954 = arith.subf %mul3A_953, %add3A_948 : f32
      %broadcast_in_dim3A_955 = vector.broadcast %sub3A_954 : f32 to vector<16xf32>
      %swap3A = arith.constant 0 : index
      %swap3A_956 = tpu.vector_load %arg10[%swap3A] {strides = array<i32>} : memref<16xf32, #tpu.memory_space<vmem>>, vector<16xf32>,
      %swap3A_957 = vector.shape_cast %swap3A_956 : vector<16xf32> to vector<16xf32>
      %swap3A_958 = vector.shape_cast %broadcast_in_dim3A_955 : vector<16xf32> to vector<16xf32>
      tpu.vector_store %arg10[%swap3A], %swap3A_958 {strides = array<i32>} : memref<16xf32, #tpu.memory_space<vmem>>, vector<16xf32>,
      "tpu.region"() ({
        %run_scoped3A = tpu.sem_alloc : memref<!tpu.dma_semaphore, #tpu.memory_space<semaphore_mem>>
        tpu.enqueue_dma source(%arg10 : memref<16xf32, #tpu.memory_space<vmem>>) target(%arg5 : memref<16xf32, #tpu.memory_space<hbm>>) target_semaphore(%run_scoped3A : memref<!tpu.dma_semaphore, #tpu.memory_space<semaphore_mem>>)
        tpu.wait_dma2 semaphore(%run_scoped3A : memref<!tpu.dma_semaphore, #tpu.memory_space<semaphore_mem>>) src(%arg10 : memref<16xf32, #tpu.memory_space<vmem>>) dst(%arg5 : memref<16xf32, #tpu.memory_space<hbm>>)
        tpu.yield
      }) : () -> ()
    } else {
    }
    return
  }
}

</mosaic_0001>

<sc_bundles>
// kernel: kernel.3.cloned.1.call-start
scs
__scs_entry_jumppad:
0x0: {  	(pc) =	sbr.rel $0x88, $3  }
0x1: {  	(tag) =	ssettag $0x0;
	lr =	simm.s32 $0x1  }
0x2: {  	[smem:$0x3F9E] =	sst lr;
	_ =	strace $0xD0000000  }
0x3: {  	_ = 	snop  }
0x4: {  	_ = 	snop  }
0x5: {  	_ = 	snop  }
0x6: {  	_ = 	snop  }
0x7: {  	_ = 	snop  }
__scs_overlays_trampoline_lowered:
0x8: {  	[smem:$0x3FAD] =	sst s0  }
0x9: {  	[smem:$0x3FAE] =	sst s1  }
0xa: {  	[smem:$0x3FAF] =	sst s2  }
0xb: {  	[smem:$0x3FB0] =	sst s3  }
0xc: {  	[smem:$0x3FB1] =	sst s4  }
0xd: {  	[smem:$0x3FB2] =	sst s5  }
0xe: {  	[smem:$0x3FB3] =	sst s6  }
0xf: {  	[smem:$0x3FB4] =	sst s7  }
0x10: {  	[smem:$0x3FB5] =	sst s8  }
0x11: {  	[smem:$0x3FB6] =	sst s9;
	s0 =	simm.s32 @!p0 $0x0  }
0x12: {  	s1 =	sld [smem:$0x3F9C];
	s0 =	simm.s32 @p0 $0x1  }
0x13: {  	[smem:$0x3FB7] =	sst s0;
	s0 =	simm.s32 @!p1 $0x0  }
0x14: {  	s2 =	sld [smem:$0x3F9B];
	s0 =	simm.s32 @p1 $0x1  }
0x15: {  	[smem:$0x3FB8] =	sst s0;
	s0 =	simm.s32 @!p2 $0x0  }
0x16: {  	s3 =	sld [smem:$0x3FDB];
	s0 =	simm.s32 @p2 $0x1  }
0x17: {  	s4 =	simm.s32 $0x1BF5;
	[smem:$0x3FBA] =	sst s0  }
0x18: {  	s0 =	sld [smem:$0x3F9D];
	_ =	swait.ge [sflag:s4], $0x0  }
0x19: {  	s7 =	sld [smem:$0x3F9E]  }
0x1a: {  	s8 =	sadd.s32 $0xFFFFE003, lr  }
0x1b: {  	s9 =	sadd.s32 $0xFFFFFEF7, lr;
	s5 =	simm.s32 $0xFFFFFFFF;
	p2 =	slt.u32 s8, $0xFFFFF086  }
0x1c: {  	p1 =	slt.u32 s9, $0xF7A;
	s5 =	simm.s32 @!p2 $0x0  }
0x1d: {  	s5 =	simm.s32 @p1 $0x1;
	p0 =	seq.s32 s7, s2  }
0x1e: {  	s7 =	smul.u32 @!p0 $0xF7A, s2;
	p2 =	seq.s32 @!p0 s5, $0x0  }
0x1f: {  	s9 =	smul.u32 $0xF7A, s1;
	s8 =	simm.s32 @!p0 $0x1BF5;
	p2 =	por !p2, p0  }
0x20: {  	[sflag:s8] =	ssyncset.s32 @!p0 $0xFFFFF086;
	s6 =	sadd.s32 @!p0 s3, s7;
	s7 =	simm.s32 @!p0 $0x108  }
0x21: {  	s3 =	sadd.s32 s3, s9;
	s6 =	sadd.s32 @!p0 $0x88, s6;
	s7 =	simm.s32 @p2 $0x1082  }
0x22: {  	[simem:s7], [sflag:s8] =	dma.local @!p0 [hbm:s6], $0xF7A  }
0x23: {  	s9 =	sor.u32 $0xD0000000, s2;
	s6 =	simm.s32 $0x108;
	_ =	swait.ge @!p0 [sflag:s8], $0x0  }
0x24: {  	s3 =	sadd.s32 $0x88, s3;
	s6 =	simm.s32 @!p1 $0x1082;
	[sflag:s4] =	ssyncset.s32 $0xFFFFF086  }
0x25: {  	[simem:s6], [sflag:s4] =	dma.local [hbm:s3], $0xF7A  }
0x26: {  	[smem:$0x3F9E] =	sst s1;
	(tag) =	ssettag s2;
	_ =	strace s9  }
0x27: {  	s1 =	sld [smem:$0x3FAE]  }
0x28: {  	s2 =	sld [smem:$0x3FAF]  }
0x29: {  	s4 =	sld [smem:$0x3FB1]  }
0x2a: {  	p0 =	seq.s32 s5, $0x0;
	s5 =	sld [smem:$0x3FB2]  }
0x2b: {  	s6 =	sld [smem:$0x3FB3]  }
0x2c: {  	s7 =	sld [smem:$0x3FB4]  }
0x2d: {  	s3 =	simm.s32 $0x108;
	s8 =	sld [smem:$0x3FB5]  }
0x2e: {  	s3 =	simm.s32 @!p0 $0x1082;
	s9 =	sld [smem:$0x3FB6]  }
0x2f: {  	lr =	sadd.s32 s0, s3;
	s0 =	sld [smem:$0x3FAD]  }
0x30: {  	s3 =	sld [smem:$0x3FB0]  }
0x31: {  	[smem:$0x3FB9] =	sst s10  }
0x32: {  	s10 =	sld [smem:$0x3FB7];
	_ =	sdelay $0x3  }
0x33: {  	p0 =	seq.s32 s10, $0x1;
	s10 =	sld [smem:$0x3FB9];
	_ =	sdelay $0x3  }
0x34: {  	[smem:$0x3FB9] =	sst s10  }
0x35: {  	s10 =	sld [smem:$0x3FB8];
	_ =	sdelay $0x3  }
0x36: {  	p1 =	seq.s32 s10, $0x1;
	s10 =	sld [smem:$0x3FB9];
	_ =	sdelay $0x3  }
0x37: {  	[smem:$0x3FB9] =	sst s10  }
0x38: {  	s10 =	sld [smem:$0x3FBA]  }
0x39: {  	_ = 	snop;
	(pc) =	sbr.ind lr, $3  }
0x3a: {  	_ = 	snop  }
0x3b: {  	_ = 	snop  }
0x3c: {  	p2 =	seq.s32 s10, $0x1;
	s10 =	sld [smem:$0x3FB9]  }
0x3d: {  	_ =	shalt  }
0x3e: {  	_ =	shalt  }
0x3f: {  	_ =	shalt  }
0x40: {  	_ =	shalt  }
0x41: {  	_ =	shalt  }
0x42: {  	_ =	shalt  }
0x43: {  	_ =	shalt  }
0x44: {  	_ =	shalt  }
0x45: {  	_ =	shalt  }
0x46: {  	_ =	shalt  }
0x47: {  	_ =	shalt  }
0x48: {  	_ =	shalt  }
0x49: {  	_ =	shalt  }
0x4a: {  	_ =	shalt  }
0x4b: {  	_ =	shalt  }
0x4c: {  	_ =	shalt  }
0x4d: {  	_ =	shalt  }
0x4e: {  	_ =	shalt  }
0x4f: {  	_ =	shalt  }
0x50: {  	_ =	shalt  }
0x51: {  	_ =	shalt  }
0x52: {  	_ =	shalt  }
0x53: {  	_ =	shalt  }
0x54: {  	_ =	shalt  }
0x55: {  	_ =	shalt  }
0x56: {  	_ =	shalt  }
0x57: {  	_ =	shalt  }
0x58: {  	_ =	shalt  }
0x59: {  	_ =	shalt  }
0x5a: {  	_ =	shalt  }
0x5b: {  	_ =	shalt  }
0x5c: {  	_ =	shalt  }
0x5d: {  	_ =	shalt  }
0x5e: {  	_ =	shalt  }
0x5f: {  	_ =	shalt  }
0x60: {  	_ =	shalt  }
0x61: {  	_ =	shalt  }
0x62: {  	_ =	shalt  }
0x63: {  	_ =	shalt  }
0x64: {  	_ =	shalt  }
0x65: {  	_ =	shalt  }
0x66: {  	_ =	shalt  }
0x67: {  	_ =	shalt  }
0x68: {  	_ =	shalt  }
0x69: {  	_ =	shalt  }
0x6a: {  	_ =	shalt  }
0x6b: {  	_ =	shalt  }
0x6c: {  	_ =	shalt  }
0x6d: {  	_ =	shalt  }
0x6e: {  	_ =	shalt  }
0x6f: {  	_ =	shalt  }
0x70: {  	_ =	shalt  }
0x71: {  	_ =	shalt  }
0x72: {  	_ =	shalt  }
0x73: {  	_ =	shalt  }
0x74: {  	_ =	shalt  }
0x75: {  	_ =	shalt  }
0x76: {  	_ =	shalt  }
0x77: {  	_ =	shalt  }
0x78: {  	_ =	shalt  }
0x79: {  	_ =	shalt  }
0x7a: {  	_ =	shalt  }
0x7b: {  	_ =	shalt  }
0x7c: {  	_ =	shalt  }
0x7d: {  	_ =	shalt  }
0x7e: {  	_ =	shalt  }
0x7f: {  	_ =	shalt  }
0x80: {  	_ =	shalt  }
0x81: {  	_ =	shalt  }
0x82: {  	_ =	shalt  }
0x83: {  	_ =	shalt  }
0x84: {  	_ =	shalt  }
0x85: {  	_ =	shalt  }
0x86: {  	_ =	shalt  }
0x87: {  	_ =	shalt  }
.Lfunc_end0:
.L_simem_size_0:
called_computation_lowered:
.L_overlay_start_0:
0x88: {  	s2 =	sld [smem:$0x3FD9]  }
0x89: {  	s3 =	sld [smem:$0x3FFE];
	_ =	sdelay $0x1  }
0x8a: {  	s1 =	srdreg.scid  }
0x8b: {  	s0 =	sand.u32 $0x1, s1  }
0x8c: {  	s17 =	sshll.u32 s0, $0xA;
	s2 =	sadd.s32 s3, s2  }
0x8d: {  	s2 =	sadd.s32 s2, s17  }
0x8e: {  	[smem:$0x3FC5] =	sst s2  }
0x8f: {  	_ = 	snop  }
0x90: {  	s2 =	sld [smem:$0x3FC9]  }
0x91: {  	s18 =	sld [smem:$0x3FC8]  }
0x92: {  	s4 =	sld [smem:$0x3FD0];
	(tm) =	ssettm $0x1  }
0x93: {  	s5 =	sld [smem:$0x3FFB];
	_ =	sdelay $0x3  }
0x94: {  	_ =	strace s5  }
0x95: {  	s5 =	sld [smem:$0x3FFC];
	_ =	sdelay $0x3  }
0x96: {  	_ =	strace s5  }
0x97: {  	s5 =	sld [smem:$0x3FFD];
	_ =	sdelay $0x3  }
0x98: {  	_ =	strace s5  }
0x99: {  	_ =	strace $0x8FFFFFFF  }
0x9a: {  	s19 =	sld [smem:$0x3FDB];
	_ =	sdelay $0x1  }
0x9b: {  	s6 =	simm.s32 $_scs_section_size  }
0x9c: {  	s7 =	simm.s32 $_size__tile_overlayer_lowered;
	s8 =	simm.s32 $_tile_overlayer_lowered  }
0x9d: {  	s22 =	simm.s32 $0x1BFF;
	s21 =	sshll.u32 s8, $0x1;
	s5 =	sadd.s32 s6, s19  }
0x9e: {  	s9 =	simm.s32 $0x0;
	s20 =	sshll.u32 s7, $0x1;
	s7 =	sadd.s32 s21, s5  }
0x9f: {  	[timem:s9], [sflag:s22] =	dma.local [hbm:s7], s20  }
0xa0: {  	_ =	swait.ge [sflag:s22], s20  }
0xa1: {  	s6 =	ssub.s32 $0x0, s20;
	[sflag:s22] =	ssyncset.done $0x0  }
0xa2: {  	[sflag:s22] =	ssyncadd.s32 s6;
	_ =	sdelay $0x1  }
0xa3: {  	s23 =	simm.s32 $0x1B8B  }
0xa4: {  	_ =	swait.ge [sflag:s23], $0x1  }
0xa5: {  	[sflag:s23] =	ssyncset.done $0x0  }
0xa6: {  	s25 =	simm.s32 $0x1B8E;
	s24 =	sld [smem:$0x3FFE];
	[sflag:s23] =	ssyncadd.s32 $0xFFFFFFFF  }
0xa7: {  	s26 =	simm.s32 $execute0_lowered;
	[smem:$0x3FD2] =	sst s25  }
0xa8: {  	s7 =	sshll.u32 s26, $0x1;
	_ =	strace $0x80000046;
	[dreg:$0x1] =	wrdreg $0xFFFFFFFF  }
0xa9: {  	s28 =	simm.s32 $_size_execute0_lowered;
	s5 =	sadd.s32 s5, s7;
	[dreg:$0x0] =	wrdreg $0x0  }
0xaa: {  	s7 =	sshll.u32 s28, $0x1;
	[dreg:$0x2] =	wrdreg s5  }
0xab: {  	[dreg:$0x3] =	wrdreg s7  }
0xac: {  	[dreg:$0x4] =	wrdreg $0xC0  }
0xad: {  	_ =	task [dreg:s9], $0x5FFFF  }
0xae: {  	[dreg:$0x1] =	wrdreg $0xFFFFFFFF  }
0xaf: {  	[dreg:$0x0] =	wrdreg $0x60  }
0xb0: {  	[dreg:$0x2] =	wrdreg s2  }
0xb1: {  	[dreg:$0x3] =	wrdreg s18  }
0xb2: {  	[dreg:$0x4] =	wrdreg s24  }
0xb3: {  	[dreg:$0x5] =	wrdreg s4  }
0xb4: {  	[dreg:$0x6] =	wrdreg $0x1000  }
0xb5: {  	[dreg:$0x7] =	wrdreg $0x9  }
0xb6: {  	_ =	task.clear_ibuf [dreg:s9], $0x8FFFF;
	_ =	strace $0x90000046  }
0xb7: {  	s29 =	simm.s32 $0x9;
	_ =	strace $0x80000048  }
0xb8: {  	_ =	swait.ge [sflag:s29], $0x1  }
0xb9: {  	[sflag:s29] =	ssyncadd.s32 $0xFFFFFFFF  }
0xba: {  	_ =	strace $0x90000048  }
0xbb: {  	_ =	sfence  }
0xbc: {  	s30 =	sld [smem:$0x0];
	_ =	sdelay $0x2  }
0xbd: {  	s31 =	sshll.u32 s1, $0xD;
	s1 =	sshrl.u32 s1, $0x2  }
0xbe: {  	s3 =	sand.u32 $0x4000, s31;
	s1 =	sadd.s32 s1, s30  }
0xbf: {  	s0 =	sor.u32 s3, s0;
	s1 =	sshll.u32 s1, $0x11  }
0xc0: {  	s0 =	sor.u32 s1, s0  }
0xc1: {  	s0 =	sadd.s32 $0x8F2B, s0  }
0xc2: {  	[sflag:s0] =	ssyncadd.remote.s32 $0x1  }
0xc3: {  	_ =	sfence.sel $0xFFFF  }
0xc4: {  	[dreg:$0x0] =	wrdreg $0xFFFFFFFF;
	(pc) =	sbr.abs _section_cstart, $3  }
0xc5: {  	[dreg:$0x1] =	wrdreg $0xFFFFFFFF  }
0xc6: {  	_ =	task.clear_ibuf [dreg:s9], $0x2FFFF;
	_ =	strace $0x9FFFFFFF  }
0xc7: {  	(tm) =	ssettm $0x7FFFFFFF  }
tec
execute0_lowered:
.L_overlay_start_1:
0x0: {  	(tag) =	ssettag $0x1  }
0x1: {  	s2 =	rddreg [dreg:$0x0];
	s31 =	srdreg.scid  }
0x2: {  	s0 =	rddreg [dreg:$0x1];
	s1 =	stileid.u32;
	s11 =	sand.u32 $0x1, s31  }
0x3: {  	s5 =	rddreg [dreg:$0x2];
	s6 =	sor.u32 s1, s11  }
0x4: {  	s30 =	rddreg [dreg:$0x3];
	p0 =	sne.s32 s6, $0x0  }
.Ltmp0:
0x5: {  	s3 =	rddreg [dreg:$0x4];
	(pc) =	sbr.rel @p0 .LBB2_4-.Ltmp0, $4  }
0x6: {  	[dreg:$0x6] =	wrdreg s0  }
0x7: {  	s4 =	simm.s32 $0x0;
	[dreg:$0x8] =	wrdreg s30  }
0x8: {  	[smem:$0x7FF] =	sst s4  }
0x9: {  	s0 =	rddreg [dreg:$0x5];
	_ =	strace $0x80000047  }
0xa: {  	s5 =	sadd.s32 $0x400, s5  }
0xb: {  	s12 =	simm.s32 $0x10;
	[dreg:$0x7] =	wrdreg s5  }
0xc: {  	s13 =	sshrl.u32 s3, $0x3;
	[dreg:$0x9] =	wrdreg s12  }
0xd: {  	s20 =	simm.s32 $0x2040;
	[dreg:$0xa] =	wrdreg s13  }
0xe: {  	s6 =	sadd.s32 $0x6400, s3;
	s22 =	simm.s32 $0x2440;
	[dreg:$0xf] =	wrdreg s20  }
0xf: {  	s7 =	sadd.s32 $0xC800, s3;
	s14 =	sshrl.u32 s6, $0x3;
	[dreg:$0x10] =	wrdreg s22  }
0x10: {  	s15 =	sadd.s32 $0x12C00, s3;
	s16 =	sshrl.u32 s7, $0x3;
	[dreg:$0xb] =	wrdreg s14  }
0x11: {  	s17 =	sadd.s32 $0x19000, s3;
	s18 =	sshrl.u32 s15, $0x3;
	[dreg:$0xc] =	wrdreg s16  }
0x12: {  	s19 =	sshrl.u32 s17, $0x3;
	[dreg:$0xd] =	wrdreg s18  }
0x13: {  	[dreg:$0xe] =	wrdreg s19  }
0x14: {  	s5 =	simm.s32 $0x2;
	s21 =	rddreg [dreg:$0x7]  }
0x15: {  	[tilespmem:s4], [sflag:$0x2] =	stream.linear.gather [hbm4b:s21+s4], $0x80, $0x38;
	[tilespmem:$0x24C0] =	vst v63  }
0x16: {  	_ =	swait.ge [sflag:s5], $0x80  }
0x17: {  	s6 =	simm.s32 $0x80;
	s8 =	rddreg [dreg:$0x6];
	[sflag:s5] =	ssyncset.done $0x0  }
0x18: {  	s7 =	simm.s32 $0x1;
	s9 =	rddreg [dreg:$0x9];
	[sflag:s5] =	ssyncadd.s32 $0xFFFFFF80  }
0x19: {  	[tilespmem:s6], [sflag:$0x1] =	stream.indirect.gather [hbm4b:s8+s9], $0x1, s4, s9, $0xb8;
	[tilespmem:$0x24C0] =	vst v63  }
0x1a: {  	_ =	swait.ge [sflag:s7], $0x10  }
0x1b: {  	[sflag:s7] =	ssyncset.done $0x0  }
0x1c: {  	[sflag:s7] =	ssyncadd.s32 $0xFFFFFFF0  }
0x1d: {  	v0 =	vld [tilespmem:$0x0];
	_ =	sdelay $0x4  }
0x1e: {  	(v2sf) =	vpush v0, $0x0;
	_ =	sdelay $0xe  }
0x1f: {  	s12 =	spop (v2sf)  }
0x20: {  	s23 =	sshra.s32 s12, $0x1F  }
0x21: {  	s8 =	sshrl.u32 s23, $0x19  }
0x22: {  	s8 =	sadd.s32 s8, s12  }
0x23: {  	s24 =	sand.u32 $0xFFFFFF80, s8  }
0x24: {  	p0 =	slt.s32 s12, $0x1;
	p1 =	sne.s32 s12, s24  }
0x25: {  	p0 =	por !p0, !p1  }
0x26: {  	s9 =	simm.s32 $0x1;
	p0 =	por !p0, !p0  }
0x27: {  	s8 =	sshrl.u32 s8, $0x7;
	s9 =	simm.s32 @!p0 $0x0  }
0x28: {  	s8 =	ssub.s32 s8, s9  }
0x29: {  	s25 =	sshll.u32 s1, $0x6;
	s10 =	simm.s32 $0x4000;
	s13 =	sshll.u32 s8, $0xA  }
0x2a: {  	s14 =	rddreg [dreg:$0xa];
	s9 =	simm.s32 $0x8;
	s15 =	sshrl.u32 s13, $0x3  }
0x2b: {  	s8 =	sor.u32 $0x1C01, s25;
	s26 =	sadd.s32 $0x320000, s13;
	s15 =	sadd.s32 s2, s15  }
0x2c: {  	[spmem:s14@s6], [sflag:s8] =	dma.strided [hbm:s15@s10], $0xC80, s9, $0x10   }
0x2d: {  	s14 =	sshrl.u32 s26, $0x3  }
0x2e: {  	s28 =	sadd.s32 $0x640000, s13;
	s15 =	rddreg [dreg:$0xb];
	s14 =	sadd.s32 s2, s14  }
0x2f: {  	[spmem:s15@s6], [sflag:s8] =	dma.strided [hbm:s14@s10], $0xC80, s9, $0x10   }
0x30: {  	s14 =	sshrl.u32 s28, $0x3  }
0x31: {  	s29 =	sadd.s32 $0x960000, s13;
	s15 =	rddreg [dreg:$0xc];
	s14 =	sadd.s32 s2, s14  }
0x32: {  	[spmem:s15@s6], [sflag:s8] =	dma.strided [hbm:s14@s10], $0xC80, s9, $0x10   }
0x33: {  	s13 =	sadd.s32 $0xC80000, s13;
	s14 =	sshrl.u32 s29, $0x3  }
0x34: {  	s13 =	sshrl.u32 s13, $0x3;
	s15 =	rddreg [dreg:$0xd];
	s14 =	sadd.s32 s2, s14  }
0x35: {  	[spmem:s15@s6], [sflag:s8] =	dma.strided [hbm:s14@s10], $0xC80, s9, $0x10   }
0x36: {  	s13 =	sadd.s32 s2, s13;
	s14 =	rddreg [dreg:$0xe]  }
0x37: {  	[spmem:s14@s6], [sflag:s8] =	dma.strided [hbm:s13@s10], $0xC80, s9, $0x10   }
0x38: {  	_ =	swait.ge [sflag:s7], $0xC80  }
0x39: {  	[sflag:s7] =	ssyncset.done $0x0  }
0x3a: {  	[sflag:s7] =	ssyncadd.s32 $0xFFFFF380  }
0x3b: {  	_ =	swait.ge [sflag:s7], $0xC80  }
0x3c: {  	[sflag:s7] =	ssyncset.done $0x0  }
0x3d: {  	[sflag:s7] =	ssyncadd.s32 $0xFFFFF380  }
0x3e: {  	_ =	swait.ge [sflag:s7], $0xC80  }
0x3f: {  	[sflag:s7] =	ssyncset.done $0x0  }
0x40: {  	[sflag:s7] =	ssyncadd.s32 $0xFFFFF380  }
0x41: {  	_ =	swait.ge [sflag:s7], $0xC80  }
0x42: {  	[sflag:s7] =	ssyncset.done $0x0  }
0x43: {  	[sflag:s7] =	ssyncadd.s32 $0xFFFFF380  }
0x44: {  	_ =	swait.ge [sflag:s7], $0xC80  }
0x45: {  	s12 =	sand.u32 $0x7F, s12;
	[sflag:s7] =	ssyncset.done $0x0  }
0x46: {  	s12 =	sadd.s32 s12, s3;
	s30 =	rddreg [dreg:$0xf];
	[sflag:s7] =	ssyncadd.s32 $0xFFFFF380  }
0x47: {  	[tilespmem:s30], [sflag:$0x2] =	stream.strided.gather [spmem:s12], $0x3E8, s6, s7, $0x38;
	[tilespmem:$0x24C0] =	vst v63  }
0x48: {  	_ =	swait.ge [sflag:s5], $0x3E8  }
0x49: {  	[sflag:s5] =	ssyncset.done $0x0  }
0x4a: {  	[sflag:s5] =	ssyncadd.s32 $0xFFFFFC18  }
0x4b: {  	v1 =	vld [tilespmem:$0x2040]  }
0x4c: {  	v63 =	vld [tilespmem:$0x80]  }
0x4d: {  	v3 =	vld [tilespmem:$0x2050];
	_ =	sdelay $0x1  }
0x4e: {  	v4 =	vld [tilespmem:$0x2060]  }
0x4f: {  	v0 =	vlaneseq.u32;
	v5 =	vadd.f32 $0.0e+00, v1  }
0x50: {  	v43 =	vor.u32 $0x10, v0;
	v6 =	vld [tilespmem:$0x2070]  }
0x51: {  	vm0 =	veq.s32 v63, v0;
	vm1 =	veq.s32 v63, v43;
	v7 =	vadd.f32 v3, v5  }
0x52: {  	v44 =	vor.u32 $0x20, v0;
	v8 =	vld [tilespmem:$0x2080];
	v5 =	vnsel vm0, $0x0, v5;
	v3 =	vnsel vm1, $0x0, v3  }
0x53: {  	vm14 =	veq.s32 v63, v44;
	v5 =	vadd.f32 v3, v5;
	v7 =	vadd.f32 v4, v7  }
0x54: {  	v45 =	vor.u32 $0x30, v0;
	v9 =	vld [tilespmem:$0x2090];
	v4 =	vnsel vm14, $0x0, v4  }
0x55: {  	vm15 =	veq.s32 v63, v45;
	v2 =	vadd.f32 v4, v5;
	v7 =	vadd.f32 v6, v7  }
0x56: {  	v46 =	vor.u32 $0x40, v0;
	v10 =	vld [tilespmem:$0x20A0];
	v6 =	vnsel vm15, $0x0, v6  }
0x57: {  	vm4 =	veq.s32 v63, v46;
	v47 =	vadd.f32 v6, v2;
	v7 =	vadd.f32 v8, v7  }
0x58: {  	v48 =	vor.u32 $0x50, v0;
	v11 =	vld [tilespmem:$0x20B0];
	v8 =	vnsel vm4, $0x0, v8  }
0x59: {  	vm5 =	veq.s32 v63, v48;
	v8 =	vadd.f32 v8, v47;
	v7 =	vadd.f32 v9, v7  }
0x5a: {  	v49 =	vor.u32 $0x60, v0;
	v12 =	vld [tilespmem:$0x20C0];
	v9 =	vnsel vm5, $0x0, v9  }
0x5b: {  	vm6 =	veq.s32 v63, v49;
	v8 =	vadd.f32 v9, v8;
	v9 =	vadd.f32 v10, v7  }
0x5c: {  	v50 =	vor.u32 $0x70, v0;
	v13 =	vld [tilespmem:$0x20D0];
	v10 =	vnsel vm6, $0x0, v10  }
0x5d: {  	vm7 =	veq.s32 v63, v50;
	v10 =	vadd.f32 v10, v8;
	v9 =	vadd.f32 v11, v9  }
0x5e: {  	v14 =	vld [tilespmem:$0x20E0];
	v8 =	vor.u32 $0x80, v0;
	v11 =	vnsel vm7, $0x0, v11  }
0x5f: {  	vm8 =	veq.s32 v63, v8;
	v10 =	vadd.f32 v11, v10;
	v11 =	vadd.f32 v12, v9  }
0x60: {  	v15 =	vld [tilespmem:$0x20F0];
	v9 =	vor.u32 $0x90, v0;
	v12 =	vnsel vm8, $0x0, v12  }
0x61: {  	vm9 =	veq.s32 v63, v9;
	v12 =	vadd.f32 v12, v10;
	v11 =	vadd.f32 v13, v11  }
0x62: {  	v16 =	vld [tilespmem:$0x2100];
	v10 =	vor.u32 $0xA0, v0;
	v13 =	vnsel vm9, $0x0, v13  }
0x63: {  	vm10 =	veq.s32 v63, v10;
	v12 =	vadd.f32 v13, v12;
	v13 =	vadd.f32 v14, v11  }
0x64: {  	v17 =	vld [tilespmem:$0x2110];
	v11 =	vor.u32 $0xB0, v0;
	v14 =	vnsel vm10, $0x0, v14  }
0x65: {  	vm11 =	veq.s32 v63, v11;
	v14 =	vadd.f32 v14, v12;
	v13 =	vadd.f32 v15, v13  }
0x66: {  	v18 =	vld [tilespmem:$0x2120];
	v12 =	vor.u32 $0xC0, v0;
	v15 =	vnsel vm11, $0x0, v15  }
0x67: {  	vm12 =	veq.s32 v63, v12;
	v14 =	vadd.f32 v15, v14;
	v15 =	vadd.f32 v16, v13  }
0x68: {  	v19 =	vld [tilespmem:$0x2130];
	v13 =	vor.u32 $0xD0, v0;
	v16 =	vnsel vm12, $0x0, v16  }
0x69: {  	vm13 =	veq.s32 v63, v13;
	v16 =	vadd.f32 v16, v14;
	v15 =	vadd.f32 v17, v15  }
0x6a: {  	v20 =	vld [tilespmem:$0x2140];
	v14 =	vor.u32 $0xE0, v0;
	v17 =	vnsel vm13, $0x0, v17  }
0x6b: {  	vm14 =	veq.s32 v63, v14;
	v16 =	vadd.f32 v17, v16;
	v17 =	vadd.f32 v18, v15  }
0x6c: {  	v21 =	vld [tilespmem:$0x2150];
	v15 =	vor.u32 $0xF0, v0;
	v18 =	vnsel vm14, $0x0, v18  }
0x6d: {  	vm15 =	veq.s32 v63, v15;
	v18 =	vadd.f32 v18, v16;
	v17 =	vadd.f32 v19, v17  }
0x6e: {  	v22 =	vld [tilespmem:$0x2160];
	v16 =	vor.u32 $0x100, v0;
	v19 =	vnsel vm15, $0x0, v19  }
0x6f: {  	vm4 =	veq.s32 v63, v16;
	v18 =	vadd.f32 v19, v18;
	v19 =	vadd.f32 v20, v17  }
0x70: {  	v23 =	vld [tilespmem:$0x2170];
	v17 =	vor.u32 $0x110, v0;
	v20 =	vnsel vm4, $0x0, v20  }
0x71: {  	vm5 =	veq.s32 v63, v17;
	v20 =	vadd.f32 v20, v18;
	v19 =	vadd.f32 v21, v19  }
0x72: {  	v24 =	vld [tilespmem:$0x2180];
	v18 =	vor.u32 $0x120, v0;
	v21 =	vnsel vm5, $0x0, v21  }
0x73: {  	vm6 =	veq.s32 v63, v18;
	v20 =	vadd.f32 v21, v20;
	v21 =	vadd.f32 v22, v19  }
0x74: {  	v25 =	vld [tilespmem:$0x2190];
	v19 =	vor.u32 $0x130, v0;
	v22 =	vnsel vm6, $0x0, v22  }
0x75: {  	vm7 =	veq.s32 v63, v19;
	v22 =	vadd.f32 v22, v20;
	v21 =	vadd.f32 v23, v21  }
0x76: {  	v26 =	vld [tilespmem:$0x21A0];
	v20 =	vor.u32 $0x140, v0;
	v23 =	vnsel vm7, $0x0, v23  }
0x77: {  	vm8 =	veq.s32 v63, v20;
	v22 =	vadd.f32 v23, v22;
	v23 =	vadd.f32 v24, v21  }
0x78: {  	v27 =	vld [tilespmem:$0x21B0];
	v21 =	vor.u32 $0x150, v0;
	v24 =	vnsel vm8, $0x0, v24  }
0x79: {  	vm9 =	veq.s32 v63, v21;
	v24 =	vadd.f32 v24, v22;
	v23 =	vadd.f32 v25, v23  }
0x7a: {  	v28 =	vld [tilespmem:$0x21C0];
	v22 =	vor.u32 $0x160, v0;
	v25 =	vnsel vm9, $0x0, v25  }
0x7b: {  	vm10 =	veq.s32 v63, v22;
	v24 =	vadd.f32 v25, v24;
	v25 =	vadd.f32 v26, v23  }
0x7c: {  	v29 =	vld [tilespmem:$0x21D0];
	v23 =	vor.u32 $0x170, v0;
	v26 =	vnsel vm10, $0x0, v26  }
0x7d: {  	vm11 =	veq.s32 v63, v23;
	v26 =	vadd.f32 v26, v24;
	v25 =	vadd.f32 v27, v25  }
0x7e: {  	v30 =	vld [tilespmem:$0x21E0];
	v24 =	vor.u32 $0x180, v0;
	v27 =	vnsel vm11, $0x0, v27  }
0x7f: {  	vm12 =	veq.s32 v63, v24;
	v26 =	vadd.f32 v27, v26;
	v27 =	vadd.f32 v28, v25  }
0x80: {  	v31 =	vld [tilespmem:$0x21F0];
	v25 =	vor.u32 $0x190, v0;
	v28 =	vnsel vm12, $0x0, v28  }
0x81: {  	vm13 =	veq.s32 v63, v25;
	v28 =	vadd.f32 v28, v26;
	v27 =	vadd.f32 v29, v27  }
0x82: {  	v32 =	vld [tilespmem:$0x2200];
	v26 =	vor.u32 $0x1A0, v0;
	v29 =	vnsel vm13, $0x0, v29  }
0x83: {  	vm14 =	veq.s32 v63, v26;
	v28 =	vadd.f32 v29, v28;
	v29 =	vadd.f32 v30, v27  }
0x84: {  	v33 =	vld [tilespmem:$0x2210];
	v27 =	vor.u32 $0x1B0, v0;
	v30 =	vnsel vm14, $0x0, v30  }
0x85: {  	vm15 =	veq.s32 v63, v27;
	v30 =	vadd.f32 v30, v28;
	v29 =	vadd.f32 v31, v29  }
0x86: {  	v34 =	vld [tilespmem:$0x2220];
	v28 =	vor.u32 $0x1C0, v0;
	v31 =	vnsel vm15, $0x0, v31  }
0x87: {  	vm4 =	veq.s32 v63, v28;
	v30 =	vadd.f32 v31, v30;
	v31 =	vadd.f32 v32, v29  }
0x88: {  	v35 =	vld [tilespmem:$0x2230];
	v29 =	vor.u32 $0x1D0, v0;
	v32 =	vnsel vm4, $0x0, v32  }
0x89: {  	vm5 =	veq.s32 v63, v29;
	v32 =	vadd.f32 v32, v30;
	v31 =	vadd.f32 v33, v31  }
0x8a: {  	v36 =	vld [tilespmem:$0x2240];
	v30 =	vor.u32 $0x1E0, v0;
	v33 =	vnsel vm5, $0x0, v33  }
0x8b: {  	vm6 =	veq.s32 v63, v30;
	v32 =	vadd.f32 v33, v32;
	v51 =	vadd.f32 v34, v31  }
0x8c: {  	v37 =	vld [tilespmem:$0x2250];
	v31 =	vor.u32 $0x1F0, v0;
	v34 =	vnsel vm6, $0x0, v34  }
0x8d: {  	vm7 =	veq.s32 v63, v31;
	v34 =	vadd.f32 v34, v32;
	v33 =	vadd.f32 v35, v51  }
0x8e: {  	v38 =	vld [tilespmem:$0x2260];
	v32 =	vor.u32 $0x200, v0;
	v35 =	vnsel vm7, $0x0, v35  }
0x8f: {  	vm8 =	veq.s32 v63, v32;
	v34 =	vadd.f32 v35, v34;
	v52 =	vadd.f32 v36, v33  }
0x90: {  	v39 =	vld [tilespmem:$0x2270];
	v33 =	vor.u32 $0x210, v0;
	v36 =	vnsel vm8, $0x0, v36  }
0x91: {  	vm9 =	veq.s32 v63, v33;
	v36 =	vadd.f32 v36, v34;
	v35 =	vadd.f32 v37, v52  }
0x92: {  	v40 =	vld [tilespmem:$0x2280];
	v34 =	vor.u32 $0x220, v0;
	v37 =	vnsel vm9, $0x0, v37  }
0x93: {  	vm10 =	veq.s32 v63, v34;
	v36 =	vadd.f32 v37, v36;
	v53 =	vadd.f32 v38, v35  }
0x94: {  	v41 =	vld [tilespmem:$0x2290];
	v35 =	vor.u32 $0x230, v0;
	v38 =	vnsel vm10, $0x0, v38  }
0x95: {  	vm11 =	veq.s32 v63, v35;
	v38 =	vadd.f32 v38, v36;
	v37 =	vadd.f32 v39, v53  }
0x96: {  	v42 =	vld [tilespmem:$0x22A0];
	v36 =	vor.u32 $0x240, v0;
	v39 =	vnsel vm11, $0x0, v39  }
0x97: {  	vm12 =	veq.s32 v63, v36;
	v38 =	vadd.f32 v39, v38;
	v54 =	vadd.f32 v40, v37  }
0x98: {  	[tilespmem:$0x1FFA0] =	vst v43;
	v43 =	vld [tilespmem:$0x22B0];
	v37 =	vor.u32 $0x250, v0;
	v40 =	vnsel vm12, $0x0, v40  }
0x99: {  	vm13 =	veq.s32 v63, v37;
	v40 =	vadd.f32 v40, v38;
	v39 =	vadd.f32 v41, v54  }
0x9a: {  	[tilespmem:$0x1FFB0] =	vst v44;
	v44 =	vld [tilespmem:$0x22C0];
	v38 =	vor.u32 $0x260, v0;
	v41 =	vnsel vm13, $0x0, v41  }
0x9b: {  	vm14 =	veq.s32 v63, v38;
	v40 =	vadd.f32 v41, v40;
	v55 =	vadd.f32 v42, v39  }
0x9c: {  	[tilespmem:$0x1FFC0] =	vst v45;
	v45 =	vld [tilespmem:$0x22D0];
	v39 =	vor.u32 $0x270, v0;
	v42 =	vnsel vm14, $0x0, v42  }
0x9d: {  	vm15 =	veq.s32 v63, v39;
	v42 =	vadd.f32 v42, v40;
	v41 =	vadd.f32 v43, v55  }
0x9e: {  	[tilespmem:$0x1FFD0] =	vst v46;
	v46 =	vld [tilespmem:$0x22E0];
	v40 =	vor.u32 $0x280, v0;
	v43 =	vnsel vm15, $0x0, v43  }
0x9f: {  	vm4 =	veq.s32 v63, v40;
	v42 =	vadd.f32 v43, v42;
	v56 =	vadd.f32 v44, v41  }
0xa0: {  	v47 =	vld [tilespmem:$0x22F0];
	v41 =	vor.u32 $0x290, v0;
	v44 =	vnsel vm4, $0x0, v44  }
0xa1: {  	vm5 =	veq.s32 v63, v41;
	v44 =	vadd.f32 v44, v42;
	v43 =	vadd.f32 v45, v56  }
0xa2: {  	[tilespmem:$0x1FFE0] =	vst v48;
	v48 =	vld [tilespmem:$0x2300];
	v42 =	vor.u32 $0x2A0, v0;
	v45 =	vnsel vm5, $0x0, v45  }
0xa3: {  	vm6 =	veq.s32 v63, v42;
	v44 =	vadd.f32 v45, v44;
	v57 =	vadd.f32 v46, v43  }
0xa4: {  	v5 =	vmov v49;
	v49 =	vld [tilespmem:$0x2310];
	v43 =	vor.u32 $0x2B0, v0;
	v46 =	vnsel vm6, $0x0, v46  }
0xa5: {  	vm7 =	veq.s32 v63, v43;
	v46 =	vadd.f32 v46, v44;
	v45 =	vadd.f32 v47, v57  }
0xa6: {  	v6 =	vmov v50;
	v50 =	vld [tilespmem:$0x2320];
	v44 =	vor.u32 $0x2C0, v0;
	v47 =	vnsel vm7, $0x0, v47  }
0xa7: {  	vm8 =	veq.s32 v63, v44;
	v46 =	vadd.f32 v47, v46;
	v58 =	vadd.f32 v48, v45  }
0xa8: {  	v51 =	vld [tilespmem:$0x2330];
	v45 =	vor.u32 $0x2D0, v0;
	v48 =	vnsel vm8, $0x0, v48  }
0xa9: {  	vm9 =	veq.s32 v63, v45;
	v48 =	vadd.f32 v48, v46;
	v47 =	vadd.f32 v49, v58  }
0xaa: {  	v52 =	vld [tilespmem:$0x2340];
	v46 =	vor.u32 $0x2E0, v0;
	v49 =	vnsel vm9, $0x0, v49  }
0xab: {  	vm10 =	veq.s32 v63, v46;
	v48 =	vadd.f32 v49, v48;
	v59 =	vadd.f32 v50, v47  }
0xac: {  	v53 =	vld [tilespmem:$0x2350];
	v47 =	vor.u32 $0x2F0, v0;
	v50 =	vnsel vm10, $0x0, v50  }
0xad: {  	vm11 =	veq.s32 v63, v47;
	v50 =	vadd.f32 v50, v48;
	v49 =	vadd.f32 v51, v59  }
0xae: {  	v54 =	vld [tilespmem:$0x2360];
	v48 =	vor.u32 $0x300, v0;
	v51 =	vnsel vm11, $0x0, v51  }
0xaf: {  	vm12 =	veq.s32 v63, v48;
	v50 =	vadd.f32 v51, v50;
	v60 =	vadd.f32 v52, v49  }
0xb0: {  	v55 =	vld [tilespmem:$0x2370];
	v49 =	vor.u32 $0x310, v0;
	v52 =	vnsel vm12, $0x0, v52  }
0xb1: {  	vm13 =	veq.s32 v63, v49;
	v52 =	vadd.f32 v52, v50;
	v51 =	vadd.f32 v53, v60  }
0xb2: {  	v56 =	vld [tilespmem:$0x2380];
	v50 =	vor.u32 $0x320, v0;
	v53 =	vnsel vm13, $0x0, v53  }
0xb3: {  	vm14 =	veq.s32 v63, v50;
	v52 =	vadd.f32 v53, v52;
	v61 =	vadd.f32 v54, v51  }
0xb4: {  	v57 =	vld [tilespmem:$0x2390];
	v51 =	vor.u32 $0x330, v0;
	v54 =	vnsel vm14, $0x0, v54  }
0xb5: {  	vm15 =	veq.s32 v63, v51;
	v54 =	vadd.f32 v54, v52;
	v53 =	vadd.f32 v55, v61  }
0xb6: {  	v58 =	vld [tilespmem:$0x23A0];
	v52 =	vor.u32 $0x340, v0;
	v55 =	vnsel vm15, $0x0, v55  }
0xb7: {  	vm4 =	veq.s32 v63, v52;
	v54 =	vadd.f32 v55, v54;
	v62 =	vadd.f32 v56, v53  }
0xb8: {  	v59 =	vld [tilespmem:$0x23B0];
	v53 =	vor.u32 $0x350, v0;
	v56 =	vnsel vm4, $0x0, v56  }
0xb9: {  	vm5 =	veq.s32 v63, v53;
	v56 =	vadd.f32 v56, v54;
	v55 =	vadd.f32 v57, v62  }
0xba: {  	v60 =	vld [tilespmem:$0x23C0];
	v54 =	vor.u32 $0x360, v0;
	v57 =	vnsel vm5, $0x0, v57  }
0xbb: {  	vm6 =	veq.s32 v63, v54;
	v56 =	vadd.f32 v57, v56;
	v1 =	vadd.f32 v58, v55  }
0xbc: {  	v61 =	vld [tilespmem:$0x23D0];
	v55 =	vor.u32 $0x370, v0;
	v58 =	vnsel vm6, $0x0, v58  }
0xbd: {  	vm7 =	veq.s32 v63, v55;
	v58 =	vadd.f32 v58, v56;
	v57 =	vadd.f32 v59, v1  }
0xbe: {  	v56 =	vor.u32 $0x380, v0;
	v62 =	vnsel vm7, $0x0, v59;
	v59 =	vld [tilespmem:$0x23E0]  }
0xbf: {  	vm8 =	veq.s32 v63, v56;
	v58 =	vadd.f32 v62, v58;
	v62 =	vadd.f32 v60, v57  }
0xc0: {  	v57 =	vor.u32 $0x390, v0;
	v60 =	vnsel vm8, $0x0, v60  }
0xc1: {  	v1 =	vld [tilespmem:$0x23F0];
	v60 =	vadd.f32 v60, v58;
	vm9 =	veq.s32 v63, v57;
	v62 =	vadd.f32 v61, v62  }
0xc2: {  	v58 =	vor.u32 $0x3A0, v0;
	v61 =	vnsel vm9, $0x0, v61  }
0xc3: {  	vm10 =	veq.s32 v63, v58;
	v2 =	vadd.f32 v61, v60;
	v61 =	vadd.f32 v59, v62;
	v62 =	vld [tilespmem:$0x2400]  }
0xc4: {  	v60 =	vnsel vm10, $0x0, v59;
	v59 =	vor.u32 $0x3B0, v0  }
0xc5: {  	vm2 =	vmmov $0xff;
	v4 =	vadd.f32 v60, v2;
	vm11 =	veq.s32 v63, v59;
	v2 =	vld [tilespmem:$0x2410]  }
0xc6: {  	v60 =	vor.u32 $0x3C0, v0;
	v3 =	vadd.f32 v1, v61;
	v7 =	vnsel vm11, $0x0, v1;
	v1 =	vld [tilespmem:$0x2418]  }
0xc7: {  	vm15 =	vcmask $0x3F20;
	vm12 =	veq.s32 v63, v60;
	v4 =	vadd.f32 v7, v4  }
0xc8: {  	v61 =	vor.u32 $0x3D0, v0;
	v3 =	vadd.f32 v62, v3;
	v7 =	vnsel vm12, $0x0, v62  }
0xc9: {  	vm13 =	veq.s32 v63, v61;
	v62 =	vadd.s32 $0x3D8, v0;
	v4 =	vadd.f32 v7, v4  }
0xca: {  	vm14 =	veq.s32 v63, v62;
	v0 =	vadd.f32 v2, v3;
	v2 =	vnsel vm13, $0x0, v2  }
0xcb: {  	vm0 =	vmand vm14, vm15;
	v63 =	vsel vm2, $0x0, v1;
	v2 =	vadd.f32 v2, v4  }
0xcc: {  	v1 =	vnsel vm0, $0x0, v1;
	v0 =	vadd.f32 v63, v0  }
0xcd: {  	v63 =	vadd.f32 v1, v2  }
0xce: {  	(v2sf) =	vpush v0, $0x0  }
0xcf: {  	(v2sf) =	vpush v63, $0x0  }
0xd0: {  	(v2sf) =	vpush v63, $0x1  }
0xd1: {  	(v2sf) =	vpush v0, $0x1  }
0xd2: {  	(v2sf) =	vpush v63, $0x2  }
0xd3: {  	(v2sf) =	vpush v0, $0x2  }
0xd4: {  	(v2sf) =	vpush v63, $0x3  }
0xd5: {  	(v2sf) =	vpush v0, $0x3  }
0xd6: {  	(v2sf) =	vpush v63, $0x4  }
0xd7: {  	(v2sf) =	vpush v0, $0x4  }
0xd8: {  	(v2sf) =	vpush v63, $0x5  }
0xd9: {  	(v2sf) =	vpush v0, $0x5  }
0xda: {  	(v2sf) =	vpush v63, $0x6  }
0xdb: {  	(v2sf) =	vpush v0, $0x6  }
0xdc: {  	(v2sf) =	vpush v63, $0x7  }
0xdd: {  	s31 =	spop (v2sf);
	(v2sf) =	vpush v0, $0x7  }
0xde: {  	s15 =	spop (v2sf);
	(v2sf) =	vpush v63, $0x8  }
0xdf: {  	s16 =	spop (v2sf);
	(v2sf) =	vpush v0, $0x8  }
0xe0: {  	s13 =	sadd.f32 s16, s15;
	s17 =	spop (v2sf);
	(v2sf) =	vpush v63, $0x9  }
0xe1: {  	s12 =	sadd.f32 s17, s31;
	s18 =	spop (v2sf);
	(v2sf) =	vpush v0, $0x9  }
0xe2: {  	s13 =	sadd.f32 s13, s18;
	s19 =	spop (v2sf);
	(v2sf) =	vpush v63, $0xA  }
0xe3: {  	s12 =	sadd.f32 s12, s19;
	s20 =	spop (v2sf);
	(v2sf) =	vpush v0, $0xA  }
0xe4: {  	s13 =	sadd.f32 s13, s20;
	s21 =	spop (v2sf);
	(v2sf) =	vpush v63, $0xB  }
0xe5: {  	s12 =	sadd.f32 s12, s21;
	s22 =	spop (v2sf);
	(v2sf) =	vpush v0, $0xB  }
0xe6: {  	s13 =	sadd.f32 s13, s22;
	s23 =	spop (v2sf);
	(v2sf) =	vpush v63, $0xC  }
0xe7: {  	s12 =	sadd.f32 s12, s23;
	s24 =	spop (v2sf);
	(v2sf) =	vpush v0, $0xC  }
0xe8: {  	s13 =	sadd.f32 s13, s24;
	s25 =	spop (v2sf);
	(v2sf) =	vpush v63, $0xD  }
0xe9: {  	s12 =	sadd.f32 s12, s25;
	s26 =	spop (v2sf);
	(v2sf) =	vpush v0, $0xD  }
0xea: {  	s13 =	sadd.f32 s13, s26;
	s28 =	spop (v2sf);
	(v2sf) =	vpush v63, $0xE  }
0xeb: {  	s12 =	sadd.f32 s12, s28;
	s29 =	spop (v2sf);
	(v2sf) =	vpush v0, $0xE  }
0xec: {  	(v2sf) =	vpush v63, $0xF;
	s30 =	spop (v2sf);
	s13 =	sadd.f32 s13, s29  }
0xed: {  	s12 =	sadd.f32 s12, s30;
	s31 =	spop (v2sf)  }
0xee: {  	(v2sf) =	vpush v0, $0xF;
	s13 =	sadd.f32 s13, s31;
	s15 =	spop (v2sf)  }
0xef: {  	s12 =	sadd.f32 s12, s15;
	s16 =	spop (v2sf)  }
0xf0: {  	s13 =	sadd.f32 s13, s16;
	s17 =	spop (v2sf)  }
0xf1: {  	s12 =	sadd.f32 s12, s17;
	s18 =	spop (v2sf)  }
0xf2: {  	s13 =	sadd.f32 s13, s18;
	s19 =	spop (v2sf)  }
0xf3: {  	s12 =	sadd.f32 s12, s19;
	s20 =	spop (v2sf)  }
0xf4: {  	s13 =	sadd.f32 s13, s20;
	s21 =	spop (v2sf)  }
0xf5: {  	s12 =	sadd.f32 s12, s21;
	s22 =	spop (v2sf)  }
0xf6: {  	s13 =	sadd.f32 s13, s22;
	s23 =	spop (v2sf)  }
0xf7: {  	s12 =	sadd.f32 s12, s23;
	s24 =	spop (v2sf)  }
0xf8: {  	s13 =	sadd.f32 s13, s24;
	s25 =	spop (v2sf)  }
0xf9: {  	s12 =	sadd.f32 s12, s25;
	s26 =	spop (v2sf)  }
0xfa: {  	s13 =	sadd.f32 s13, s26;
	s28 =	spop (v2sf)  }
0xfb: {  	s11 =	ssub.s32 $0x2, s11;
	s12 =	sadd.f32 s12, s28;
	s29 =	spop (v2sf)  }
0xfc: {  	s31 =	sshrl.u32 s11, $0x1;
	s13 =	sadd.f32 s13, s29  }
0xfd: {  	s11 =	ssub.s32 s11, s31;
	s30 =	spop (v2sf)  }
0xfe: {  	p0 =	sne.s32 s11, $0x1;
	s12 =	sadd.f32 s12, s30;
	s13 =	smul.f32 $1.000000000e+03, s13  }
.Ltmp1:
0xff: {  	_ = 	snop;
	(pc) =	sbr.rel @!p0 .LBB2_3-.Ltmp1, $4  }
0x100: {  	v3 =	vimm.s32 $0x0;
	s13 =	ssub.f32 s13, s12  }
0x101: {  	v3 =	vsel vm2, $0xFFFFFFFF, v3  }
0x102: {  	[tilespmem:$0x1FFF0] =	vst v3;
	s12 =	rddreg [dreg:$0x10];
	v2 =	vmov s13  }
0x103: {  	s11 =	sadd.s32 $0xFFFFFFFF, s11;
	s13 =	rddreg [dreg:$0x8];
	[tilespmem:$0x2440] =	vst v2  }
.LBB2_2:
0x104: {  	[hbm4b:s13+s4] =	stream.linear.scatter [tilespmem:s12], [sflag:$0x2], $0x80, $0x38;
	[tilespmem:$0x24C0] =	vst v63  }
0x105: {  	_ =	swait.ge [sflag:s5], $0x80  }
0x106: {  	[sflag:s5] =	ssyncset.done $0x0  }
0x107: {  	s21 =	rddreg [dreg:$0x7];
	[sflag:s5] =	ssyncadd.s32 $0xFFFFFF80  }
0x108: {  	[tilespmem:s4], [sflag:$0x2] =	stream.linear.gather [hbm4b:s21+s4], $0x80, $0x38;
	[tilespmem:$0x24C0] =	vst v63  }
0x109: {  	_ =	swait.ge [sflag:s5], $0x80  }
0x10a: {  	[sflag:s5] =	ssyncset.done $0x0;
	s22 =	rddreg [dreg:$0x6]  }
0x10b: {  	s23 =	rddreg [dreg:$0x9];
	[sflag:s5] =	ssyncadd.s32 $0xFFFFFF80  }
0x10c: {  	[tilespmem:s6], [sflag:$0x1] =	stream.indirect.gather [hbm4b:s22+s23], $0x1, s4, s23, $0xb8;
	[tilespmem:$0x24C0] =	vst v63  }
0x10d: {  	_ =	swait.ge [sflag:s7], $0x10  }
0x10e: {  	[sflag:s7] =	ssyncset.done $0x0  }
0x10f: {  	[sflag:s7] =	ssyncadd.s32 $0xFFFFFFF0  }
0x110: {  	v63 =	vld [tilespmem:$0x0];
	_ =	sdelay $0x4  }
0x111: {  	(v2sf) =	vpush v63, $0x0;
	_ =	sdelay $0xe  }
0x112: {  	s24 =	spop (v2sf)  }
0x113: {  	s14 =	sshra.s32 s24, $0x1F  }
0x114: {  	s14 =	sshrl.u32 s14, $0x19  }
0x115: {  	s14 =	sadd.s32 s14, s24  }
0x116: {  	s15 =	sand.u32 $0xFFFFFF80, s14  }
0x117: {  	p1 =	slt.s32 s24, $0x1;
	p2 =	sne.s32 s24, s15  }
0x118: {  	p1 =	por !p1, !p2  }
0x119: {  	s26 =	sshrl.u32 s14, $0x7;
	s14 =	simm.s32 $0x1;
	p1 =	por !p1, !p1  }
0x11a: {  	s14 =	simm.s32 @!p1 $0x0  }
0x11b: {  	s13 =	ssub.s32 s26, s14  }
0x11c: {  	s13 =	sshll.u32 s13, $0xA  }
0x11d: {  	s28 =	rddreg [dreg:$0xa];
	s29 =	sshrl.u32 s13, $0x3  }
0x11e: {  	s16 =	sadd.s32 $0x320000, s13;
	s17 =	sadd.s32 $0x640000, s13;
	s18 =	sadd.s32 $0x960000, s13  }
0x11f: {  	s13 =	sadd.s32 $0xC80000, s13;
	s15 =	sadd.s32 s2, s29;
	s16 =	sshrl.u32 s16, $0x3  }
0x120: {  	[spmem:s28@s6], [sflag:s8] =	dma.strided [hbm:s15@s10], $0xC80, s9, $0x10   }
0x121: {  	s17 =	sshrl.u32 s17, $0x3;
	s16 =	sadd.s32 s2, s16;
	s14 =	rddreg [dreg:$0xb]  }
0x122: {  	[spmem:s14@s6], [sflag:s8] =	dma.strided [hbm:s16@s10], $0xC80, s9, $0x10   }
0x123: {  	s30 =	sshrl.u32 s18, $0x3;
	s31 =	sadd.s32 s2, s17;
	s14 =	rddreg [dreg:$0xc]  }
0x124: {  	[spmem:s14@s6], [sflag:s8] =	dma.strided [hbm:s31@s10], $0xC80, s9, $0x10   }
0x125: {  	s13 =	sshrl.u32 s13, $0x3;
	s15 =	sadd.s32 s2, s30;
	s14 =	rddreg [dreg:$0xd]  }
0x126: {  	[spmem:s14@s6], [sflag:s8] =	dma.strided [hbm:s15@s10], $0xC80, s9, $0x10   }
0x127: {  	s13 =	sadd.s32 s2, s13;
	s14 =	rddreg [dreg:$0xe]  }
0x128: {  	[spmem:s14@s6], [sflag:s8] =	dma.strided [hbm:s13@s10], $0xC80, s9, $0x10   }
0x129: {  	_ =	swait.ge [sflag:s7], $0xC80  }
0x12a: {  	[sflag:s7] =	ssyncset.done $0x0  }
0x12b: {  	[sflag:s7] =	ssyncadd.s32 $0xFFFFF380  }
0x12c: {  	_ =	swait.ge [sflag:s7], $0xC80  }
0x12d: {  	[sflag:s7] =	ssyncset.done $0x0  }
0x12e: {  	[sflag:s7] =	ssyncadd.s32 $0xFFFFF380  }
0x12f: {  	_ =	swait.ge [sflag:s7], $0xC80  }
0x130: {  	[sflag:s7] =	ssyncset.done $0x0  }
0x131: {  	[sflag:s7] =	ssyncadd.s32 $0xFFFFF380  }
0x132: {  	_ =	swait.ge [sflag:s7], $0xC80  }
0x133: {  	[sflag:s7] =	ssyncset.done $0x0  }
0x134: {  	[sflag:s7] =	ssyncadd.s32 $0xFFFFF380  }
0x135: {  	_ =	swait.ge [sflag:s7], $0xC80  }
0x136: {  	s25 =	sand.u32 $0x7F, s24;
	[sflag:s7] =	ssyncset.done $0x0  }
0x137: {  	s12 =	sadd.s32 s25, s3;
	s14 =	rddreg [dreg:$0xf];
	[sflag:s7] =	ssyncadd.s32 $0xFFFFF380  }
0x138: {  	[tilespmem:s14], [sflag:$0x2] =	stream.strided.gather [spmem:s12], $0x3E8, s6, s7, $0x38;
	[tilespmem:$0x24C0] =	vst v63  }
0x139: {  	_ =	swait.ge [sflag:s5], $0x3E8  }
0x13a: {  	[sflag:s5] =	ssyncset.done $0x0  }
0x13b: {  	[sflag:s5] =	ssyncadd.s32 $0xFFFFFC18  }
0x13c: {  	v63 =	vld [tilespmem:$0x80];
	_ =	sdelay $0x1  }
0x13d: {  	v7 =	vld [tilespmem:$0x1FFD0];
	_ =	sdelay $0x1  }
0x13e: {  	v3 =	vlaneseq.u32;
	v0 =	vld [tilespmem:$0x2040]  }
0x13f: {  	vm0 =	veq.s32 v63, v3;
	v3 =	vld [tilespmem:$0x1FFA0]  }
0x140: {  	v1 =	vld [tilespmem:$0x2050]  }
0x141: {  	vm3 =	veq.s32 v63, v7;
	v7 =	vld [tilespmem:$0x1FFE0]  }
0x142: {  	v2 =	vld [tilespmem:$0x2060]  }
0x143: {  	v0 =	vadd.f32 $0.0e+00, v0  }
0x144: {  	vm1 =	veq.s32 v63, v3;
	v3 =	vld [tilespmem:$0x1FFB0]  }
0x145: {  	v4 =	vnsel vm0, $0x0, v0;
	v0 =	vadd.f32 v1, v0  }
0x146: {  	vm15 =	veq.s32 v63, v24;
	vm5 =	veq.s32 v63, v7;
	v7 =	vimm.s32 $0x0  }
0x147: {  	v0 =	vadd.f32 v2, v0;
	v7 =	vsel vm15, $0xFFFFFFFF, v7  }
0x148: {  	v1 =	vnsel vm1, $0x0, v1;
	vm15 =	veq.s32 v63, v25;
	[tilespmem:$0x1FDC0] =	vst v7;
	v7 =	vimm.s32 $0x0  }
0x149: {  	v1 =	vadd.f32 v1, v4;
	v7 =	vsel vm15, $0xFFFFFFFF, v7;
	vm2 =	veq.s32 v63, v3  }
0x14a: {  	vm15 =	veq.s32 v63, v26;
	[tilespmem:$0x1FDD0] =	vst v7;
	v7 =	vimm.s32 $0x0;
	v3 =	vld [tilespmem:$0x2070];
	v2 =	vnsel vm2, $0x0, v2  }
0x14b: {  	v7 =	vsel vm15, $0xFFFFFFFF, v7;
	v1 =	vadd.f32 v2, v1;
	v2 =	vld [tilespmem:$0x1FFC0]  }
0x14c: {  	vm15 =	veq.s32 v63, v27;
	[tilespmem:$0x1FDE0] =	vst v7;
	v7 =	vimm.s32 $0x0  }
0x14d: {  	vm8 =	veq.s32 v63, v5;
	vm11 =	veq.s32 v63, v6;
	v4 =	vld [tilespmem:$0x2080];
	v7 =	vsel vm15, $0xFFFFFFFF, v7  }
0x14e: {  	vm0 =	veq.s32 v63, v9;
	vm15 =	veq.s32 v63, v28;
	[tilespmem:$0x1FDF0] =	vst v7;
	v7 =	vimm.s32 $0x0  }
0x14f: {  	vm1 =	veq.s32 v63, v10;
	v7 =	vsel vm15, $0xFFFFFFFF, v7;
	vm15 =	veq.s32 v63, v29  }
0x150: {  	v0 =	vadd.f32 v3, v0;
	[tilespmem:$0x1FE00] =	vst v7;
	v7 =	vimm.s32 $0x0;
	vm14 =	veq.s32 v63, v2;
	v2 =	vld [tilespmem:$0x2090]  }
0x151: {  	v7 =	vsel vm15, $0xFFFFFFFF, v7;
	vm15 =	veq.s32 v63, v30;
	v3 =	vnsel vm14, $0x0, v3  }
0x152: {  	v0 =	vadd.f32 v4, v0;
	[tilespmem:$0x1FE10] =	vst v7;
	v7 =	vimm.s32 $0x0;
	v1 =	vadd.f32 v3, v1;
	v3 =	vld [tilespmem:$0x20A0]  }
0x153: {  	v4 =	vnsel vm3, $0x0, v4;
	vm14 =	veq.s32 v63, v8;
	v7 =	vsel vm15, $0xFFFFFFFF, v7  }
0x154: {  	vm15 =	veq.s32 v63, v31;
	[tilespmem:$0x1FE20] =	vst v7;
	v7 =	vimm.s32 $0x0;
	v1 =	vadd.f32 v4, v1;
	v4 =	vld [tilespmem:$0x20B0]  }
0x155: {  	v7 =	vsel vm15, $0xFFFFFFFF, v7;
	v0 =	vadd.f32 v2, v0;
	v2 =	vnsel vm5, $0x0, v2  }
0x156: {  	vm15 =	veq.s32 v63, v32;
	[tilespmem:$0x1FE30] =	vst v7;
	v7 =	vimm.s32 $0x0;
	v1 =	vadd.f32 v2, v1;
	v2 =	vld [tilespmem:$0x20C0]  }
0x157: {  	v7 =	vsel vm15, $0xFFFFFFFF, v7;
	v0 =	vadd.f32 v3, v0;
	v3 =	vnsel vm8, $0x0, v3  }
0x158: {  	vm15 =	veq.s32 v63, v33;
	[tilespmem:$0x1FE40] =	vst v7;
	v7 =	vimm.s32 $0x0;
	v1 =	vadd.f32 v3, v1;
	v3 =	vld [tilespmem:$0x20D0]  }
0x159: {  	v7 =	vsel vm15, $0xFFFFFFFF, v7;
	v0 =	vadd.f32 v4, v0;
	v4 =	vnsel vm11, $0x0, v4  }
0x15a: {  	vm15 =	veq.s32 v63, v34;
	[tilespmem:$0x1FE50] =	vst v7;
	v7 =	vimm.s32 $0x0;
	v1 =	vadd.f32 v4, v1;
	v4 =	vld [tilespmem:$0x20E0]  }
0x15b: {  	v7 =	vsel vm15, $0xFFFFFFFF, v7;
	v0 =	vadd.f32 v2, v0;
	v2 =	vnsel vm14, $0x0, v2  }
0x15c: {  	vm15 =	veq.s32 v63, v35;
	[tilespmem:$0x1FE60] =	vst v7;
	v7 =	vimm.s32 $0x0;
	v1 =	vadd.f32 v2, v1;
	v2 =	vld [tilespmem:$0x20F0]  }
0x15d: {  	v7 =	vsel vm15, $0xFFFFFFFF, v7;
	v0 =	vadd.f32 v3, v0;
	v3 =	vnsel vm0, $0x0, v3  }
0x15e: {  	vm15 =	veq.s32 v63, v36;
	[tilespmem:$0x1FE70] =	vst v7;
	v7 =	vimm.s32 $0x0;
	v1 =	vadd.f32 v3, v1;
	v3 =	vld [tilespmem:$0x2100]  }
0x15f: {  	v7 =	vsel vm15, $0xFFFFFFFF, v7;
	v0 =	vadd.f32 v4, v0;
	v4 =	vnsel vm1, $0x0, v4  }
0x160: {  	vm15 =	veq.s32 v63, v37;
	[tilespmem:$0x1FE80] =	vst v7;
	v7 =	vimm.s32 $0x0;
	v1 =	vadd.f32 v4, v1;
	v4 =	vld [tilespmem:$0x2110]  }
0x161: {  	v7 =	vsel vm15, $0xFFFFFFFF, v7;
	v0 =	vadd.f32 v2, v0  }
0x162: {  	vm2 =	veq.s32 v63, v11;
	vm15 =	veq.s32 v63, v38;
	[tilespmem:$0x1FE90] =	vst v7;
	v7 =	vimm.s32 $0x0  }
0x163: {  	v2 =	vnsel vm2, $0x0, v2;
	v7 =	vsel vm15, $0xFFFFFFFF, v7;
	v0 =	vadd.f32 v3, v0  }
0x164: {  	vm4 =	veq.s32 v63, v13;
	v1 =	vadd.f32 v2, v1;
	[tilespmem:$0x1FEA0] =	vst v7;
	v7 =	vimm.s32 $0x0  }
0x165: {  	v2 =	vld [tilespmem:$0x2120];
	v0 =	vadd.f32 v4, v0;
	v4 =	vnsel vm4, $0x0, v4;
	vm4 =	veq.s32 v63, v39  }
0x166: {  	v7 =	vsel vm4, $0xFFFFFFFF, v7  }
0x167: {  	vm15 =	veq.s32 v63, v40;
	[tilespmem:$0x1FEB0] =	vst v7;
	v7 =	vimm.s32 $0x0  }
0x168: {  	v7 =	vsel vm15, $0xFFFFFFFF, v7  }
0x169: {  	vm3 =	veq.s32 v63, v12;
	vm4 =	veq.s32 v63, v41;
	[tilespmem:$0x1FEC0] =	vst v7;
	v7 =	vimm.s32 $0x0  }
0x16a: {  	vm5 =	veq.s32 v63, v14;
	v0 =	vadd.f32 v2, v0;
	v7 =	vsel vm4, $0xFFFFFFFF, v7  }
0x16b: {  	v2 =	vnsel vm5, $0x0, v2;
	vm5 =	veq.s32 v63, v42;
	[tilespmem:$0x1FED0] =	vst v7;
	v7 =	vimm.s32 $0x0  }
0x16c: {  	v3 =	vnsel vm3, $0x0, v3;
	v7 =	vsel vm5, $0xFFFFFFFF, v7  }
0x16d: {  	v1 =	vadd.f32 v3, v1;
	v3 =	vld [tilespmem:$0x2130];
	vm15 =	veq.s32 v63, v43;
	[tilespmem:$0x1FEE0] =	vst v7;
	v7 =	vimm.s32 $0x0  }
0x16e: {  	v7 =	vsel vm15, $0xFFFFFFFF, v7  }
0x16f: {  	vm4 =	veq.s32 v63, v44;
	[tilespmem:$0x1FEF0] =	vst v7;
	v7 =	vimm.s32 $0x0  }
0x170: {  	v7 =	vsel vm4, $0xFFFFFFFF, v7  }
0x171: {  	vm5 =	veq.s32 v63, v45;
	[tilespmem:$0x1FF00] =	vst v7;
	v7 =	vimm.s32 $0x0  }
0x172: {  	vm6 =	veq.s32 v63, v15;
	v0 =	vadd.f32 v3, v0;
	v7 =	vsel vm5, $0xFFFFFFFF, v7  }
0x173: {  	v3 =	vnsel vm6, $0x0, v3;
	vm6 =	veq.s32 v63, v46;
	[tilespmem:$0x1FF10] =	vst v7;
	v7 =	vimm.s32 $0x0  }
0x174: {  	v7 =	vsel vm6, $0xFFFFFFFF, v7  }
0x175: {  	vm15 =	veq.s32 v63, v47;
	[tilespmem:$0x1FF20] =	vst v7;
	v7 =	vimm.s32 $0x0  }
0x176: {  	v7 =	vsel vm15, $0xFFFFFFFF, v7  }
0x177: {  	v1 =	vadd.f32 v4, v1;
	v4 =	vld [tilespmem:$0x2140];
	vm4 =	veq.s32 v63, v48;
	[tilespmem:$0x1FF30] =	vst v7;
	v7 =	vimm.s32 $0x0  }
0x178: {  	v7 =	vsel vm4, $0xFFFFFFFF, v7  }
0x179: {  	v1 =	vadd.f32 v2, v1;
	v2 =	vld [tilespmem:$0x2150];
	vm5 =	veq.s32 v63, v49;
	[tilespmem:$0x1FF40] =	vst v7;
	v7 =	vimm.s32 $0x0  }
0x17a: {  	v7 =	vsel vm5, $0xFFFFFFFF, v7  }
0x17b: {  	v1 =	vadd.f32 v3, v1;
	v3 =	vld [tilespmem:$0x2160];
	vm6 =	veq.s32 v63, v50;
	[tilespmem:$0x1FF50] =	vst v7;
	v7 =	vimm.s32 $0x0  }
0x17c: {  	vm7 =	veq.s32 v63, v16;
	v0 =	vadd.f32 v4, v0;
	v7 =	vsel vm6, $0xFFFFFFFF, v7  }
0x17d: {  	v4 =	vnsel vm7, $0x0, v4;
	vm7 =	veq.s32 v63, v51;
	[tilespmem:$0x1FF60] =	vst v7;
	v7 =	vimm.s32 $0x0  }
0x17e: {  	vm8 =	veq.s32 v63, v17;
	v0 =	vadd.f32 v2, v0;
	v7 =	vsel vm7, $0xFFFFFFFF, v7  }
0x17f: {  	v2 =	vnsel vm8, $0x0, v2;
	vm8 =	veq.s32 v63, v52;
	[tilespmem:$0x1FF70] =	vst v7;
	v7 =	vimm.s32 $0x0  }
0x180: {  	vm9 =	veq.s32 v63, v18;
	v0 =	vadd.f32 v3, v0;
	v7 =	vsel vm8, $0xFFFFFFFF, v7  }
0x181: {  	v3 =	vnsel vm9, $0x0, v3;
	vm9 =	veq.s32 v63, v53;
	[tilespmem:$0x1FF80] =	vst v7;
	v7 =	vimm.s32 $0x0  }
0x182: {  	v7 =	vsel vm9, $0xFFFFFFFF, v7  }
0x183: {  	[tilespmem:$0x1FF90] =	vst v7;
	v7 =	vld [tilespmem:$0x1FDC0];
	_ =	sdelay $0x3  }
0x184: {  	v1 =	vadd.f32 v4, v1;
	v4 =	vld [tilespmem:$0x2170]  }
0x185: {  	vm15 =	vnez.u8 v7;
	v7 =	vld [tilespmem:$0x1FDD0];
	_ =	sdelay $0x1  }
0x186: {  	v1 =	vadd.f32 v2, v1;
	v2 =	vld [tilespmem:$0x2180];
	_ =	sdelay $0x1  }
0x187: {  	vm10 =	veq.s32 v63, v19;
	v1 =	vadd.f32 v3, v1;
	v3 =	vld [tilespmem:$0x2190]  }
0x188: {  	v0 =	vadd.f32 v4, v0;
	v4 =	vnsel vm10, $0x0, v4;
	vm10 =	vnez.u8 v7;
	v7 =	vld [tilespmem:$0x1FDE0];
	_ =	sdelay $0x1  }
0x189: {  	vm11 =	veq.s32 v63, v20;
	v0 =	vadd.f32 v2, v0  }
0x18a: {  	vm12 =	veq.s32 v63, v21;
	v2 =	vnsel vm11, $0x0, v2;
	vm11 =	veq.s32 v63, v62  }
0x18b: {  	v0 =	vadd.f32 v3, v0;
	v3 =	vnsel vm12, $0x0, v3;
	vm12 =	vcmask $0x3F20  }
0x18c: {  	vm1 =	vmand vm11, vm12;
	vm11 =	vnez.u8 v7;
	v7 =	vld [tilespmem:$0x1FDF0];
	_ =	sdelay $0x3  }
0x18d: {  	v1 =	vadd.f32 v4, v1;
	v4 =	vld [tilespmem:$0x21A0]  }
0x18e: {  	vm12 =	vnez.u8 v7;
	v7 =	vld [tilespmem:$0x1FE00];
	_ =	sdelay $0x3  }
0x18f: {  	vm13 =	veq.s32 v63, v22;
	v1 =	vadd.f32 v2, v1;
	v2 =	vld [tilespmem:$0x21B0]  }
0x190: {  	v0 =	vadd.f32 v4, v0;
	v4 =	vnsel vm13, $0x0, v4;
	vm13 =	vnez.u8 v7;
	v7 =	vld [tilespmem:$0x1FE10];
	_ =	sdelay $0x3  }
0x191: {  	vm14 =	veq.s32 v63, v23;
	v1 =	vadd.f32 v3, v1;
	v3 =	vld [tilespmem:$0x21C0]  }
0x192: {  	v0 =	vadd.f32 v2, v0;
	v2 =	vnsel vm14, $0x0, v2;
	vm14 =	vnez.u8 v7;
	v7 =	vld [tilespmem:$0x1FE20];
	_ =	sdelay $0x3  }
0x193: {  	v1 =	vadd.f32 v4, v1;
	v4 =	vld [tilespmem:$0x21D0]  }
0x194: {  	v0 =	vadd.f32 v3, v0;
	v3 =	vnsel vm15, $0x0, v3;
	vm15 =	vnez.u8 v7;
	v7 =	vld [tilespmem:$0x1FE30];
	_ =	sdelay $0x1  }
0x195: {  	vm2 =	veq.s32 v63, v61;
	vm3 =	veq.s32 v63, v60  }
0x196: {  	vm4 =	veq.s32 v63, v59;
	vm5 =	veq.s32 v63, v58;
	vm6 =	veq.s32 v63, v57  }
0x197: {  	vm7 =	veq.s32 v63, v56;
	vm8 =	veq.s32 v63, v55;
	vm9 =	veq.s32 v63, v54;
	v63 =	vld [tilespmem:$0x21E0]  }
0x198: {  	v0 =	vadd.f32 v4, v0;
	v4 =	vnsel vm10, $0x0, v4;
	vm10 =	vnez.u8 v7;
	v7 =	vld [tilespmem:$0x1FE40];
	_ =	sdelay $0x1  }
0x199: {  	v1 =	vadd.f32 v2, v1;
	_ =	sdelay $0x1  }
0x19a: {  	v1 =	vadd.f32 v3, v1;
	v3 =	vld [tilespmem:$0x21F0]  }
0x19b: {  	v2 =	vnsel vm11, $0x0, v63;
	vm11 =	vnez.u8 v7;
	v7 =	vld [tilespmem:$0x1FE50];
	_ =	sdelay $0x2  }
0x19c: {  	v0 =	vadd.f32 v63, v0  }
0x19d: {  	v1 =	vadd.f32 v4, v1;
	v4 =	vld [tilespmem:$0x2200]  }
0x19e: {  	v0 =	vadd.f32 v3, v0;
	v3 =	vnsel vm12, $0x0, v3;
	vm12 =	vnez.u8 v7;
	v7 =	vld [tilespmem:$0x1FE60];
	_ =	sdelay $0x3  }
0x19f: {  	v63 =	vld [tilespmem:$0x2210]  }
0x1a0: {  	v0 =	vadd.f32 v4, v0;
	v4 =	vnsel vm13, $0x0, v4;
	vm13 =	vnez.u8 v7;
	v7 =	vld [tilespmem:$0x1FE70];
	_ =	sdelay $0x1  }
0x1a1: {  	v1 =	vadd.f32 v2, v1;
	_ =	sdelay $0x1  }
0x1a2: {  	v1 =	vadd.f32 v3, v1;
	v3 =	vld [tilespmem:$0x2220]  }
0x1a3: {  	v2 =	vnsel vm14, $0x0, v63;
	vm14 =	vnez.u8 v7;
	v7 =	vld [tilespmem:$0x1FE80];
	_ =	sdelay $0x2  }
0x1a4: {  	v0 =	vadd.f32 v63, v0  }
0x1a5: {  	v1 =	vadd.f32 v4, v1;
	v4 =	vld [tilespmem:$0x2230]  }
0x1a6: {  	v0 =	vadd.f32 v3, v0;
	v3 =	vnsel vm15, $0x0, v3;
	vm15 =	vnez.u8 v7;
	v7 =	vld [tilespmem:$0x1FE90];
	_ =	sdelay $0x3  }
0x1a7: {  	v63 =	vld [tilespmem:$0x2240]  }
0x1a8: {  	v0 =	vadd.f32 v4, v0;
	v4 =	vnsel vm10, $0x0, v4;
	vm10 =	vnez.u8 v7;
	v7 =	vld [tilespmem:$0x1FEA0];
	_ =	sdelay $0x1  }
0x1a9: {  	v1 =	vadd.f32 v2, v1;
	_ =	sdelay $0x1  }
0x1aa: {  	v1 =	vadd.f32 v3, v1;
	v3 =	vld [tilespmem:$0x2250]  }
0x1ab: {  	v2 =	vnsel vm11, $0x0, v63;
	vm11 =	vnez.u8 v7;
	v7 =	vld [tilespmem:$0x1FEB0];
	_ =	sdelay $0x2  }
0x1ac: {  	v0 =	vadd.f32 v63, v0  }
0x1ad: {  	v1 =	vadd.f32 v4, v1;
	v4 =	vld [tilespmem:$0x2260]  }
0x1ae: {  	v0 =	vadd.f32 v3, v0;
	v3 =	vnsel vm12, $0x0, v3;
	vm12 =	vnez.u8 v7;
	v7 =	vld [tilespmem:$0x1FEC0];
	_ =	sdelay $0x3  }
0x1af: {  	v63 =	vld [tilespmem:$0x2270]  }
0x1b0: {  	v0 =	vadd.f32 v4, v0;
	v4 =	vnsel vm13, $0x0, v4;
	vm13 =	vnez.u8 v7;
	v7 =	vld [tilespmem:$0x1FED0];
	_ =	sdelay $0x1  }
0x1b1: {  	v1 =	vadd.f32 v2, v1;
	_ =	sdelay $0x1  }
0x1b2: {  	v1 =	vadd.f32 v3, v1;
	v3 =	vld [tilespmem:$0x2280]  }
0x1b3: {  	v2 =	vnsel vm14, $0x0, v63;
	vm14 =	vnez.u8 v7;
	v7 =	vld [tilespmem:$0x1FEE0];
	_ =	sdelay $0x2  }
0x1b4: {  	v0 =	vadd.f32 v63, v0  }
0x1b5: {  	v1 =	vadd.f32 v4, v1;
	v4 =	vld [tilespmem:$0x2290]  }
0x1b6: {  	v0 =	vadd.f32 v3, v0;
	v3 =	vnsel vm15, $0x0, v3;
	vm15 =	vnez.u8 v7;
	v7 =	vld [tilespmem:$0x1FEF0];
	_ =	sdelay $0x3  }
0x1b7: {  	v63 =	vld [tilespmem:$0x22A0]  }
0x1b8: {  	v0 =	vadd.f32 v4, v0;
	v4 =	vnsel vm10, $0x0, v4;
	vm10 =	vnez.u8 v7;
	v7 =	vld [tilespmem:$0x1FF00];
	_ =	sdelay $0x1  }
0x1b9: {  	v1 =	vadd.f32 v2, v1;
	_ =	sdelay $0x1  }
0x1ba: {  	v1 =	vadd.f32 v3, v1;
	v3 =	vld [tilespmem:$0x22B0]  }
0x1bb: {  	v2 =	vnsel vm11, $0x0, v63;
	vm11 =	vnez.u8 v7;
	v7 =	vld [tilespmem:$0x1FF10];
	_ =	sdelay $0x2  }
0x1bc: {  	v0 =	vadd.f32 v63, v0  }
0x1bd: {  	v1 =	vadd.f32 v4, v1;
	v4 =	vld [tilespmem:$0x22C0]  }
0x1be: {  	v0 =	vadd.f32 v3, v0;
	v3 =	vnsel vm12, $0x0, v3;
	vm12 =	vnez.u8 v7;
	v7 =	vld [tilespmem:$0x1FF20];
	_ =	sdelay $0x3  }
0x1bf: {  	v63 =	vld [tilespmem:$0x22D0]  }
0x1c0: {  	v0 =	vadd.f32 v4, v0;
	v4 =	vnsel vm13, $0x0, v4;
	vm13 =	vnez.u8 v7;
	v7 =	vld [tilespmem:$0x1FF30];
	_ =	sdelay $0x1  }
0x1c1: {  	v1 =	vadd.f32 v2, v1;
	_ =	sdelay $0x1  }
0x1c2: {  	v1 =	vadd.f32 v3, v1;
	v3 =	vld [tilespmem:$0x22E0]  }
0x1c3: {  	v2 =	vnsel vm14, $0x0, v63;
	vm14 =	vnez.u8 v7;
	v7 =	vld [tilespmem:$0x1FF40];
	_ =	sdelay $0x2  }
0x1c4: {  	v0 =	vadd.f32 v63, v0  }
0x1c5: {  	v1 =	vadd.f32 v4, v1;
	v4 =	vld [tilespmem:$0x22F0]  }
0x1c6: {  	v0 =	vadd.f32 v3, v0;
	v3 =	vnsel vm15, $0x0, v3;
	vm15 =	vnez.u8 v7;
	v7 =	vld [tilespmem:$0x1FF50];
	_ =	sdelay $0x1  }
0x1c7: {  	v1 =	vadd.f32 v2, v1  }
0x1c8: {  	v63 =	vld [tilespmem:$0x2300]  }
0x1c9: {  	v1 =	vadd.f32 v3, v1;
	v3 =	vld [tilespmem:$0x2310]  }
0x1ca: {  	v0 =	vadd.f32 v4, v0;
	v4 =	vnsel vm10, $0x0, v4;
	vm10 =	vnez.u8 v7;
	v7 =	vld [tilespmem:$0x1FF60];
	_ =	sdelay $0x1  }
0x1cb: {  	v1 =	vadd.f32 v4, v1;
	v4 =	vld [tilespmem:$0x2320]  }
0x1cc: {  	v0 =	vadd.f32 v63, v0;
	v2 =	vnsel vm11, $0x0, v63  }
0x1cd: {  	v63 =	vld [tilespmem:$0x2330];
	v1 =	vadd.f32 v2, v1  }
0x1ce: {  	v0 =	vadd.f32 v3, v0;
	v3 =	vnsel vm12, $0x0, v3;
	vm11 =	vnez.u8 v7;
	v7 =	vld [tilespmem:$0x1FF70]  }
0x1cf: {  	v1 =	vadd.f32 v3, v1;
	v3 =	vld [tilespmem:$0x2340]  }
0x1d0: {  	v0 =	vadd.f32 v4, v0;
	v4 =	vnsel vm13, $0x0, v4  }
0x1d1: {  	v1 =	vadd.f32 v4, v1;
	v4 =	vld [tilespmem:$0x2350]  }
0x1d2: {  	v0 =	vadd.f32 v63, v0;
	v2 =	vnsel vm14, $0x0, v63;
	v63 =	vld [tilespmem:$0x2360]  }
0x1d3: {  	v1 =	vadd.f32 v2, v1;
	vm12 =	vnez.u8 v7;
	v7 =	vld [tilespmem:$0x1FF80]  }
0x1d4: {  	v0 =	vadd.f32 v3, v0;
	v3 =	vnsel vm15, $0x0, v3  }
0x1d5: {  	v1 =	vadd.f32 v3, v1;
	v3 =	vld [tilespmem:$0x2370]  }
0x1d6: {  	v0 =	vadd.f32 v4, v0;
	v4 =	vnsel vm10, $0x0, v4  }
0x1d7: {  	v1 =	vadd.f32 v4, v1;
	v4 =	vld [tilespmem:$0x2380]  }
0x1d8: {  	v0 =	vadd.f32 v63, v0;
	v2 =	vnsel vm11, $0x0, v63;
	vm13 =	vnez.u8 v7;
	v7 =	vld [tilespmem:$0x1FF90]  }
0x1d9: {  	v63 =	vld [tilespmem:$0x2390];
	v1 =	vadd.f32 v2, v1  }
0x1da: {  	v0 =	vadd.f32 v3, v0;
	v3 =	vnsel vm12, $0x0, v3  }
0x1db: {  	v1 =	vadd.f32 v3, v1;
	v3 =	vld [tilespmem:$0x23A0]  }
0x1dc: {  	v0 =	vadd.f32 v4, v0;
	v4 =	vnsel vm13, $0x0, v4  }
0x1dd: {  	v1 =	vadd.f32 v4, v1;
	v4 =	vld [tilespmem:$0x23B0];
	vm14 =	vnez.u8 v7  }
0x1de: {  	v0 =	vadd.f32 v63, v0;
	v2 =	vnsel vm14, $0x0, v63  }
0x1df: {  	v63 =	vld [tilespmem:$0x23C0];
	v1 =	vadd.f32 v2, v1  }
0x1e0: {  	v0 =	vadd.f32 v3, v0;
	v3 =	vnsel vm9, $0x0, v3  }
0x1e1: {  	v1 =	vadd.f32 v3, v1;
	v3 =	vld [tilespmem:$0x23D0]  }
0x1e2: {  	v0 =	vadd.f32 v4, v0;
	v4 =	vnsel vm8, $0x0, v4  }
0x1e3: {  	v1 =	vadd.f32 v4, v1;
	v4 =	vld [tilespmem:$0x23E0]  }
0x1e4: {  	v0 =	vadd.f32 v63, v0;
	v2 =	vnsel vm7, $0x0, v63  }
0x1e5: {  	v63 =	vld [tilespmem:$0x23F0];
	v1 =	vadd.f32 v2, v1  }
0x1e6: {  	v0 =	vadd.f32 v3, v0;
	v3 =	vnsel vm6, $0x0, v3  }
0x1e7: {  	v1 =	vadd.f32 v3, v1;
	v3 =	vld [tilespmem:$0x2400]  }
0x1e8: {  	v0 =	vadd.f32 v4, v0;
	v4 =	vnsel vm5, $0x0, v4  }
0x1e9: {  	v1 =	vadd.f32 v4, v1;
	v4 =	vld [tilespmem:$0x2410]  }
0x1ea: {  	v2 =	vnsel vm4, $0x0, v63  }
0x1eb: {  	v1 =	vadd.f32 v2, v1  }
0x1ec: {  	v2 =	vnsel vm3, $0x0, v3  }
0x1ed: {  	v1 =	vadd.f32 v2, v1  }
0x1ee: {  	v2 =	vnsel vm2, $0x0, v4  }
0x1ef: {  	v1 =	vadd.f32 v2, v1;
	v2 =	vld [tilespmem:$0x1FFF0]  }
0x1f0: {  	v0 =	vadd.f32 v63, v0;
	v63 =	vld [tilespmem:$0x2418];
	_ =	sdelay $0x1  }
0x1f1: {  	v0 =	vadd.f32 v3, v0;
	_ =	sdelay $0x1  }
0x1f2: {  	v0 =	vadd.f32 v4, v0;
	vm15 =	vnez.u8 v2  }
0x1f3: {  	v2 =	vsel vm15, $0x0, v63  }
0x1f4: {  	v63 =	vnsel vm1, $0x0, v63;
	v0 =	vadd.f32 v2, v0  }
0x1f5: {  	v1 =	vadd.f32 v63, v1  }
0x1f6: {  	(v2sf) =	vpush v0, $0x0  }
0x1f7: {  	(v2sf) =	vpush v1, $0x0  }
0x1f8: {  	(v2sf) =	vpush v1, $0x1  }
0x1f9: {  	(v2sf) =	vpush v0, $0x1  }
0x1fa: {  	(v2sf) =	vpush v1, $0x2  }
0x1fb: {  	(v2sf) =	vpush v0, $0x2  }
0x1fc: {  	(v2sf) =	vpush v1, $0x3  }
0x1fd: {  	(v2sf) =	vpush v0, $0x3  }
0x1fe: {  	(v2sf) =	vpush v1, $0x4  }
0x1ff: {  	(v2sf) =	vpush v0, $0x4  }
0x200: {  	(v2sf) =	vpush v1, $0x5  }
0x201: {  	(v2sf) =	vpush v0, $0x5  }
0x202: {  	(v2sf) =	vpush v1, $0x6  }
0x203: {  	(v2sf) =	vpush v0, $0x6  }
0x204: {  	(v2sf) =	vpush v1, $0x7  }
0x205: {  	s15 =	spop (v2sf);
	(v2sf) =	vpush v0, $0x7  }
0x206: {  	s16 =	spop (v2sf);
	(v2sf) =	vpush v1, $0x8  }
0x207: {  	s17 =	spop (v2sf);
	(v2sf) =	vpush v0, $0x8  }
0x208: {  	s13 =	sadd.f32 s17, s16;
	s18 =	spop (v2sf);
	(v2sf) =	vpush v1, $0x9  }
0x209: {  	s12 =	sadd.f32 s18, s15;
	s19 =	spop (v2sf);
	(v2sf) =	vpush v0, $0x9  }
0x20a: {  	s13 =	sadd.f32 s13, s19;
	s20 =	spop (v2sf);
	(v2sf) =	vpush v1, $0xA  }
0x20b: {  	s12 =	sadd.f32 s12, s20;
	s21 =	spop (v2sf);
	(v2sf) =	vpush v0, $0xA  }
0x20c: {  	s13 =	sadd.f32 s13, s21;
	s22 =	spop (v2sf);
	(v2sf) =	vpush v1, $0xB  }
0x20d: {  	s12 =	sadd.f32 s12, s22;
	s23 =	spop (v2sf);
	(v2sf) =	vpush v0, $0xB  }
0x20e: {  	s13 =	sadd.f32 s13, s23;
	s24 =	spop (v2sf);
	(v2sf) =	vpush v1, $0xC  }
0x20f: {  	s12 =	sadd.f32 s12, s24;
	s25 =	spop (v2sf);
	(v2sf) =	vpush v0, $0xC  }
0x210: {  	s13 =	sadd.f32 s13, s25;
	s26 =	spop (v2sf);
	(v2sf) =	vpush v1, $0xD  }
0x211: {  	s12 =	sadd.f32 s12, s26;
	s28 =	spop (v2sf);
	(v2sf) =	vpush v0, $0xD  }
0x212: {  	s13 =	sadd.f32 s13, s28;
	s29 =	spop (v2sf);
	(v2sf) =	vpush v1, $0xE  }
0x213: {  	s12 =	sadd.f32 s12, s29;
	s30 =	spop (v2sf);
	(v2sf) =	vpush v0, $0xE  }
0x214: {  	s13 =	sadd.f32 s13, s30;
	s31 =	spop (v2sf);
	(v2sf) =	vpush v1, $0xF  }
0x215: {  	s12 =	sadd.f32 s12, s31;
	s15 =	spop (v2sf)  }
0x216: {  	s13 =	sadd.f32 s13, s15;
	s16 =	spop (v2sf);
	(v2sf) =	vpush v0, $0xF  }
0x217: {  	s12 =	sadd.f32 s12, s16;
	s17 =	spop (v2sf)  }
0x218: {  	s13 =	sadd.f32 s13, s17;
	s18 =	spop (v2sf)  }
0x219: {  	s12 =	sadd.f32 s12, s18;
	s19 =	spop (v2sf)  }
0x21a: {  	s13 =	sadd.f32 s13, s19;
	s20 =	spop (v2sf)  }
0x21b: {  	s12 =	sadd.f32 s12, s20;
	s21 =	spop (v2sf)  }
0x21c: {  	s13 =	sadd.f32 s13, s21;
	s22 =	spop (v2sf)  }
0x21d: {  	s12 =	sadd.f32 s12, s22;
	s23 =	spop (v2sf)  }
0x21e: {  	s13 =	sadd.f32 s13, s23;
	s24 =	spop (v2sf)  }
0x21f: {  	s12 =	sadd.f32 s12, s24;
	s25 =	spop (v2sf)  }
0x220: {  	s13 =	sadd.f32 s13, s25;
	s26 =	spop (v2sf)  }
0x221: {  	s12 =	sadd.f32 s12, s26;
	s28 =	spop (v2sf)  }
0x222: {  	s13 =	sadd.f32 s13, s28;
	s29 =	spop (v2sf)  }
0x223: {  	s12 =	sadd.f32 s12, s29;
	s30 =	spop (v2sf)  }
0x224: {  	s13 =	sadd.f32 s13, s30  }
0x225: {  	s31 =	spop (v2sf)  }
0x226: {  	p0 =	sne.s32 s11, $0x1;
	s14 =	sadd.f32 s12, s31;
	s13 =	smul.f32 $1.000000000e+03, s13  }
.Ltmp2:
0x227: {  	_ = 	snop;
	(pc) =	sbr.rel @p0 .LBB2_2-.Ltmp2, $3  }
0x228: {  	s14 =	ssub.f32 s13, s14;
	_ =	sdelay $0x1  }
0x229: {  	s12 =	rddreg [dreg:$0x10];
	v63 =	vmov s14  }
0x22a: {  	s11 =	sadd.s32 $0xFFFFFFFF, s11;
	s13 =	rddreg [dreg:$0x8];
	[tilespmem:$0x2440] =	vst v63  }
.LBB2_3:
0x22b: {  	[hbm4b:s13+s4] =	stream.linear.scatter [tilespmem:s12], [sflag:$0x2], $0x80, $0x38;
	[tilespmem:$0x24C0] =	vst v63  }
0x22c: {  	_ =	swait.ge [sflag:s5], $0x80  }
0x22d: {  	[sflag:s5] =	ssyncset.done $0x0  }
0x22e: {  	[sflag:s5] =	ssyncadd.s32 $0xFFFFFF80  }
.LBB2_4:
0x22f: {  	_ =	sfence.sel $0x180000  }
0x230: {  	[bflag:$0x0] =	sbarrier.arrive $0xFFFF  }
0x231: {  	p0 =	sne.s32 s1, $0x0;
	_ =	strace $0x90000047  }
0x232: {  	s0 =	sadd.s32 @!p0 $0x100000, s0;
	[bflag:$0x2] =	sbarrier.arrive $0xFFFF  }
0x233: {  	[sflag:s0] =	ssyncadd.tile.s32 @!p0 $0x1;
	_ =	shalt  }
.Lfunc_end2:
_tile_overlayer_lowered:
.L_overlay_start_2:
0x234: {  	(tag) =	ssettag $0x2  }
0x235: {  	s0 =	rddreg [dreg:$0x0];
	s2 =	stileid.u32  }
0x236: {  	s1 =	rddreg [dreg:$0x1];
	p0 =	sne.s32 s2, $0x0  }
0x237: {  	s3 =	rddreg [dreg:$0x2];
	[bflag:$0x3] =	sbarrier.arrive $0xFFFF;
	s2 =	simm.s32 @!p0 $0x1C02  }
0x238: {  	[timem:s3], [sflag:s2] =	dma.local @!p0 [hbm:s0], s1  }
0x239: {  	s0 =	simm.s32 @!p0 $0x2  }
0x23a: {  	_ =	swait.ge @!p0 [sflag:s0], s1  }
0x23b: {  	s1 =	ssub.s32 @!p0 $0x0, s1;
	[sflag:s0] =	ssyncset.done @!p0 $0x0  }
0x23c: {  	[sflag:s0] =	ssyncadd.s32 @!p0 s1  }
0x23d: {  	[bflag:$0x3] =	sbarrier.arrive $0xFFFF  }
0x23e: {  	_ =	shalt  }

</sc_bundles>
